<compile_context>
chip_gen: v7x
topology: tpu7x:2x2x1
jax: 0.10.2.dev20260603
libtpu: 0.0.44.dev20260713+nightly
codegen_flags: <defaults>
</compile_context>

<pallas_src>
import functools

import jax
import jax.numpy as jnp
from jax import lax
from jax.experimental import pallas as pl
from jax.experimental.pallas import tpu as pltpu
from jax.experimental.pallas import tpu_sc as plsc

N = 2048
D = 256
C = 3
CH_STRIDE = D * D * D

NC, NS, L = 2, 16, 16
NW = NC * NS
PER_W = N // NW
VECS = PER_W // L

_mesh = plsc.VectorSubcoreMesh(core_axis_name="c", subcore_axis_name="s",
                               num_cores=NC, num_subcores=NS)


@functools.partial(
    pl.kernel,
    mesh=_mesh,
    compiler_params=pltpu.CompilerParams(needs_layout_passes=False),
    out_type=jax.ShapeDtypeStruct((C, N), jnp.float32),
    scratch_types=[
        pltpu.VMEM((PER_W,), jnp.int32),
        pltpu.VMEM((PER_W,), jnp.int32),
        pltpu.VMEM((PER_W,), jnp.int32),
        pltpu.VMEM((PER_W,), jnp.int32),
        pltpu.VMEM((PER_W,), jnp.int32),
        pltpu.VMEM((PER_W,), jnp.int32),
        pltpu.VMEM((L,), jnp.float32),
        pltpu.VMEM((PER_W,), jnp.int32),
        pltpu.VMEM((PER_W,), jnp.int32),
        pltpu.VMEM((PER_W,), jnp.int32),
        pltpu.VMEM((PER_W,), jnp.float32),
        pltpu.VMEM((PER_W,), jnp.float32),
        pltpu.VMEM((PER_W,), jnp.float32),
        pltpu.VMEM((C, PER_W), jnp.float32),
        pltpu.SemaphoreType.DMA,
        pltpu.SemaphoreType.DMA,
        pltpu.SemaphoreType.DMA,
        pltpu.SemaphoreType.DMA,
    ],
)
def _trl_kernel(mlT_hbm, flT_hbm, field_hbm, spac_hbm, out_hbm,
                xm_v, ym_v, zm_v, xf_v, yf_v, zf_v, ms_v,
                i0_v, i1_v, i2_v, d0_v, d1_v, d2_v, ob_v,
                sem_g, sem_m, sem_f, sem_s):
    wid = lax.axis_index("s") * NC + lax.axis_index("c")
    n0 = wid * PER_W

    cpm = [pltpu.async_copy(mlT_hbm.at[c, pl.ds(n0, PER_W)], dst, sem_m)
           for c, dst in enumerate((xm_v, ym_v, zm_v))]
    cpf = [pltpu.async_copy(flT_hbm.at[c, pl.ds(n0, PER_W)], dst, sem_f)
           for c, dst in enumerate((xf_v, yf_v, zf_v))]
    cps = pltpu.async_copy(spac_hbm, ms_v.at[pl.ds(0, C)], sem_s)

    for cp in cpm:
        cp.wait()
    for j in range(VECS):
        sl = pl.ds(j * L, L)
        x, y, z = xm_v[sl], ym_v[sl], zm_v[sl]
        tile = ((y >> 3) * 2 + (z >> 7)) * 1024
        lin = x * (D * D) + tile + (y & 7) * 128 + (z & 127)
        i0_v[sl] = lin
        i1_v[sl] = lin + CH_STRIDE
        i2_v[sl] = lin + 2 * CH_STRIDE

    gathers = [pltpu.async_copy(field_hbm.at[iv], dv, sem_g)
               for iv, dv in ((i0_v, d0_v), (i1_v, d1_v), (i2_v, d2_v))]

    cps.wait()
    spv = ms_v[...]
    for cp in cpf:
        cp.wait()

    for cp in gathers:
        cp.wait()

    for c, (mv, fv, dv) in enumerate(
            zip((xm_v, ym_v, zm_v), (xf_v, yf_v, zf_v),
                (d0_v, d1_v, d2_v))):
        for j in range(VECS):
            sl = pl.ds(j * L, L)
            ob_v[c, sl] = (mv[sl].astype(jnp.float32) + dv[sl]
                           - fv[sl].astype(jnp.float32)) * spv[c]
        pltpu.sync_copy(ob_v.at[c], out_hbm.at[c, pl.ds(n0, PER_W)])


def kernel(fixed_landmarks, moving_landmarks, displacement_field,
           fixed_spacing, moving_spacing):
    del fixed_spacing
    field_flat = (displacement_field
                  .reshape(C, D, D // 8, 8, D // 128, 128)
                  .transpose(0, 1, 2, 4, 3, 5)
                  .reshape(-1))
    outT = _trl_kernel(moving_landmarks.T, fixed_landmarks.T, field_flat,
                       moving_spacing.astype(jnp.float32))
    return outT.T

# --- scband reference (transcript-rebuilt; emitter-appended) ---
"""Pipeline reference for scband-total-registration-loss-14946486190666 (READ-ONLY COPY).

The authoritative reference and input builder live on the scoring server;
editing this copy changes nothing except your own understanding.
"""

import jax, jax.numpy as jnp
import numpy as np


def setup_inputs(seed: int = 0) -> dict:
    key = jax.random.key(seed)
    k1, k2, k3, k4, k5 = jax.random.split(key, 5)
    N = 2048
    D = 256
    fixed_landmarks = jax.random.randint(k1, (N, 3), 0, D, dtype=jnp.int32)
    moving_landmarks = jax.random.randint(k2, (N, 3), 0, D, dtype=jnp.int32)
    displacement_field = jax.random.normal(k3, (1, 3, D, D, D), dtype=jnp.float32)
    fixed_spacing = jax.random.uniform(k4, (3,), dtype=jnp.float32, minval=0.5, maxval=2.0)
    moving_spacing = jax.random.uniform(k5, (3,), dtype=jnp.float32, minval=0.5, maxval=2.0)
    return {
        "fixed_landmarks": fixed_landmarks,
        "moving_landmarks": moving_landmarks,
        "displacement_field": displacement_field,
        "fixed_spacing": fixed_spacing,
        "moving_spacing": moving_spacing,
    }


def reference(fixed_landmarks, moving_landmarks, displacement_field, fixed_spacing, moving_spacing):
    # displacement_field[:, :, ml[:,0], ml[:,1], ml[:,2]] -> [B, 3, N] (advanced indexing / gather)
    disp = displacement_field[:, :, moving_landmarks[:, 0], moving_landmarks[:, 1], moving_landmarks[:, 2]]
    # einops.rearrange 'b n N -> (b N) n'
    b, n, N = disp.shape
    disp = jnp.transpose(disp, (0, 2, 1)).reshape(b * N, n)
    return (moving_landmarks.astype(jnp.float32) + disp - fixed_landmarks.astype(jnp.float32)) * moving_spacing

if __name__ == "__main__":
    import jax
    _d = setup_inputs()
    print(jax.jit(kernel)(*tuple(_d.values())))

</pallas_src>

<mosaic_0001>
#map = affine_map<(d0, d1) -> (0, 0)>
#map1 = affine_map<(d0, d1) -> (0)>
module attributes {stable_mosaic.version = 14 : i64} {
  func.func @_trl_kernel(%arg0: i32, %arg1: i32, %arg2: memref<3x2048xi32, #tpu.memory_space<hbm>>, %arg3: memref<3x2048xi32, #tpu.memory_space<hbm>>, %arg4: memref<50331648xf32, #tpu.memory_space<hbm>>, %arg5: memref<3xf32, #tpu.memory_space<hbm>>, %arg6: memref<3x2048xf32, #tpu.memory_space<hbm>>, %arg7: memref<64xi32, #tpu.memory_space<vmem>>, %arg8: memref<64xi32, #tpu.memory_space<vmem>>, %arg9: memref<64xi32, #tpu.memory_space<vmem>>, %arg10: memref<64xi32, #tpu.memory_space<vmem>>, %arg11: memref<64xi32, #tpu.memory_space<vmem>>, %arg12: memref<64xi32, #tpu.memory_space<vmem>>, %arg13: memref<16xf32, #tpu.memory_space<vmem>>, %arg14: memref<64xi32, #tpu.memory_space<vmem>>, %arg15: memref<64xi32, #tpu.memory_space<vmem>>, %arg16: memref<64xi32, #tpu.memory_space<vmem>>, %arg17: memref<64xf32, #tpu.memory_space<vmem>>, %arg18: memref<64xf32, #tpu.memory_space<vmem>>, %arg19: memref<64xf32, #tpu.memory_space<vmem>>, %arg20: memref<3x64xf32, #tpu.memory_space<vmem>>, %arg21: memref<!tpu.dma_semaphore, #tpu.memory_space<semaphore_mem>>, %arg22: memref<!tpu.dma_semaphore, #tpu.memory_space<semaphore_mem>>, %arg23: memref<!tpu.dma_semaphore, #tpu.memory_space<semaphore_mem>>, %arg24: memref<!tpu.dma_semaphore, #tpu.memory_space<semaphore_mem>>) attributes {dimension_semantics = [#tpu.dimension_semantics<core_parallel>, #tpu.dimension_semantics<subcore_parallel>], iteration_bounds = array<i64: 2, 16>, scalar_prefetch = 0 : i64, scratch_operands = 18 : i64, tpu.core_type = #tpu.core_type<sc_vector_subcore>, window_params = [{transform_indices = #map}, {transform_indices = #map}, {transform_indices = #map1}, {transform_indices = #map1}, {transform_indices = #map}]} {
    %mul3A = arith.constant 2 : i32
    %mul3A_0 = arith.muli %arg1, %mul3A : i32
    %add3A = arith.addi %mul3A_0, %arg0 : i32
    %mul3A_1 = arith.constant 64 : i32
    %mul3A_2 = arith.muli %add3A, %mul3A_1 : i32
    %dma_start3A = arith.constant 0 : i32
    %dma_start3A_3 = tpu.memref_slice %arg2[%dma_start3A, %mul3A_2] : memref<3x2048xi32, #tpu.memory_space<hbm>> -> memref<1x64xi32, #tpu.memory_space<hbm>>
    %dma_start3A_4 = tpu.memref_squeeze %dma_start3A_3 : memref<1x64xi32, #tpu.memory_space<hbm>> -> memref<64xi32, #tpu.memory_space<hbm>>
    %dma_start3A_5 = tpu.memref_slice %arg2[%dma_start3A, %mul3A_2] : memref<3x2048xi32, #tpu.memory_space<hbm>> -> memref<1x64xi32, #tpu.memory_space<hbm>>
    %dma_start3A_6 = tpu.memref_squeeze %dma_start3A_5 : memref<1x64xi32, #tpu.memory_space<hbm>> -> memref<64xi32, #tpu.memory_space<hbm>>
    tpu.enqueue_dma source(%dma_start3A_6 : memref<64xi32, #tpu.memory_space<hbm>>) target(%arg7 : memref<64xi32, #tpu.memory_space<vmem>>) target_semaphore(%arg22 : memref<!tpu.dma_semaphore, #tpu.memory_space<semaphore_mem>>)
    %dma_start3A_7 = arith.constant 1 : i32
    %dma_start3A_8 = tpu.memref_slice %arg2[%dma_start3A_7, %mul3A_2] : memref<3x2048xi32, #tpu.memory_space<hbm>> -> memref<1x64xi32, #tpu.memory_space<hbm>>
    %dma_start3A_9 = tpu.memref_squeeze %dma_start3A_8 : memref<1x64xi32, #tpu.memory_space<hbm>> -> memref<64xi32, #tpu.memory_space<hbm>>
    %dma_start3A_10 = tpu.memref_slice %arg2[%dma_start3A_7, %mul3A_2] : memref<3x2048xi32, #tpu.memory_space<hbm>> -> memref<1x64xi32, #tpu.memory_space<hbm>>
    %dma_start3A_11 = tpu.memref_squeeze %dma_start3A_10 : memref<1x64xi32, #tpu.memory_space<hbm>> -> memref<64xi32, #tpu.memory_space<hbm>>
    tpu.enqueue_dma source(%dma_start3A_11 : memref<64xi32, #tpu.memory_space<hbm>>) target(%arg8 : memref<64xi32, #tpu.memory_space<vmem>>) target_semaphore(%arg22 : memref<!tpu.dma_semaphore, #tpu.memory_space<semaphore_mem>>)
    %dma_start3A_12 = arith.constant 2 : i32
    %dma_start3A_13 = tpu.memref_slice %arg2[%dma_start3A_12, %mul3A_2] : memref<3x2048xi32, #tpu.memory_space<hbm>> -> memref<1x64xi32, #tpu.memory_space<hbm>>
    %dma_start3A_14 = tpu.memref_squeeze %dma_start3A_13 : memref<1x64xi32, #tpu.memory_space<hbm>> -> memref<64xi32, #tpu.memory_space<hbm>>
    %dma_start3A_15 = tpu.memref_slice %arg2[%dma_start3A_12, %mul3A_2] : memref<3x2048xi32, #tpu.memory_space<hbm>> -> memref<1x64xi32, #tpu.memory_space<hbm>>
    %dma_start3A_16 = tpu.memref_squeeze %dma_start3A_15 : memref<1x64xi32, #tpu.memory_space<hbm>> -> memref<64xi32, #tpu.memory_space<hbm>>
    tpu.enqueue_dma source(%dma_start3A_16 : memref<64xi32, #tpu.memory_space<hbm>>) target(%arg9 : memref<64xi32, #tpu.memory_space<vmem>>) target_semaphore(%arg22 : memref<!tpu.dma_semaphore, #tpu.memory_space<semaphore_mem>>)
    %dma_start3A_17 = arith.constant 0 : i32
    %dma_start3A_18 = tpu.memref_slice %arg3[%dma_start3A_17, %mul3A_2] : memref<3x2048xi32, #tpu.memory_space<hbm>> -> memref<1x64xi32, #tpu.memory_space<hbm>>
    %dma_start3A_19 = tpu.memref_squeeze %dma_start3A_18 : memref<1x64xi32, #tpu.memory_space<hbm>> -> memref<64xi32, #tpu.memory_space<hbm>>
    %dma_start3A_20 = tpu.memref_slice %arg3[%dma_start3A_17, %mul3A_2] : memref<3x2048xi32, #tpu.memory_space<hbm>> -> memref<1x64xi32, #tpu.memory_space<hbm>>
    %dma_start3A_21 = tpu.memref_squeeze %dma_start3A_20 : memref<1x64xi32, #tpu.memory_space<hbm>> -> memref<64xi32, #tpu.memory_space<hbm>>
    tpu.enqueue_dma source(%dma_start3A_21 : memref<64xi32, #tpu.memory_space<hbm>>) target(%arg10 : memref<64xi32, #tpu.memory_space<vmem>>) target_semaphore(%arg23 : memref<!tpu.dma_semaphore, #tpu.memory_space<semaphore_mem>>)
    %dma_start3A_22 = arith.constant 1 : i32
    %dma_start3A_23 = tpu.memref_slice %arg3[%dma_start3A_22, %mul3A_2] : memref<3x2048xi32, #tpu.memory_space<hbm>> -> memref<1x64xi32, #tpu.memory_space<hbm>>
    %dma_start3A_24 = tpu.memref_squeeze %dma_start3A_23 : memref<1x64xi32, #tpu.memory_space<hbm>> -> memref<64xi32, #tpu.memory_space<hbm>>
    %dma_start3A_25 = tpu.memref_slice %arg3[%dma_start3A_22, %mul3A_2] : memref<3x2048xi32, #tpu.memory_space<hbm>> -> memref<1x64xi32, #tpu.memory_space<hbm>>
    %dma_start3A_26 = tpu.memref_squeeze %dma_start3A_25 : memref<1x64xi32, #tpu.memory_space<hbm>> -> memref<64xi32, #tpu.memory_space<hbm>>
    tpu.enqueue_dma source(%dma_start3A_26 : memref<64xi32, #tpu.memory_space<hbm>>) target(%arg11 : memref<64xi32, #tpu.memory_space<vmem>>) target_semaphore(%arg23 : memref<!tpu.dma_semaphore, #tpu.memory_space<semaphore_mem>>)
    %dma_start3A_27 = arith.constant 2 : i32
    %dma_start3A_28 = tpu.memref_slice %arg3[%dma_start3A_27, %mul3A_2] : memref<3x2048xi32, #tpu.memory_space<hbm>> -> memref<1x64xi32, #tpu.memory_space<hbm>>
    %dma_start3A_29 = tpu.memref_squeeze %dma_start3A_28 : memref<1x64xi32, #tpu.memory_space<hbm>> -> memref<64xi32, #tpu.memory_space<hbm>>
    %dma_start3A_30 = tpu.memref_slice %arg3[%dma_start3A_27, %mul3A_2] : memref<3x2048xi32, #tpu.memory_space<hbm>> -> memref<1x64xi32, #tpu.memory_space<hbm>>
    %dma_start3A_31 = tpu.memref_squeeze %dma_start3A_30 : memref<1x64xi32, #tpu.memory_space<hbm>> -> memref<64xi32, #tpu.memory_space<hbm>>
    tpu.enqueue_dma source(%dma_start3A_31 : memref<64xi32, #tpu.memory_space<hbm>>) target(%arg12 : memref<64xi32, #tpu.memory_space<vmem>>) target_semaphore(%arg23 : memref<!tpu.dma_semaphore, #tpu.memory_space<semaphore_mem>>)
    %dma_start3A_32 = arith.constant 0 : i32
    %dma_start3A_33 = tpu.memref_slice %arg13[%dma_start3A_32] : memref<16xf32, #tpu.memory_space<vmem>> -> memref<3xf32, #tpu.memory_space<vmem>>
    %dma_start3A_34 = arith.constant 0 : i32
    %dma_start3A_35 = tpu.memref_slice %arg13[%dma_start3A_34] : memref<16xf32, #tpu.memory_space<vmem>> -> memref<3xf32, #tpu.memory_space<vmem>>
    tpu.enqueue_dma source(%arg5 : memref<3xf32, #tpu.memory_space<hbm>>) target(%dma_start3A_35 : memref<3xf32, #tpu.memory_space<vmem>>) target_semaphore(%arg24 : memref<!tpu.dma_semaphore, #tpu.memory_space<semaphore_mem>>)
    %dma_wait3A = arith.constant 0 : i32
    %dma_wait3A_36 = tpu.memref_slice %arg2[%dma_wait3A, %mul3A_2] : memref<3x2048xi32, #tpu.memory_space<hbm>> -> memref<1x64xi32, #tpu.memory_space<hbm>>
    %dma_wait3A_37 = tpu.memref_squeeze %dma_wait3A_36 : memref<1x64xi32, #tpu.memory_space<hbm>> -> memref<64xi32, #tpu.memory_space<hbm>>
    %dma_wait3A_38 = tpu.memref_slice %arg2[%dma_wait3A, %mul3A_2] : memref<3x2048xi32, #tpu.memory_space<hbm>> -> memref<1x64xi32, #tpu.memory_space<hbm>>
    %dma_wait3A_39 = tpu.memref_squeeze %dma_wait3A_38 : memref<1x64xi32, #tpu.memory_space<hbm>> -> memref<64xi32, #tpu.memory_space<hbm>>
    tpu.wait_dma2 semaphore(%arg22 : memref<!tpu.dma_semaphore, #tpu.memory_space<semaphore_mem>>) src(%dma_wait3A_39 : memref<64xi32, #tpu.memory_space<hbm>>) dst(%arg7 : memref<64xi32, #tpu.memory_space<vmem>>)
    %dma_wait3A_40 = arith.constant 1 : i32
    %dma_wait3A_41 = tpu.memref_slice %arg2[%dma_wait3A_40, %mul3A_2] : memref<3x2048xi32, #tpu.memory_space<hbm>> -> memref<1x64xi32, #tpu.memory_space<hbm>>
    %dma_wait3A_42 = tpu.memref_squeeze %dma_wait3A_41 : memref<1x64xi32, #tpu.memory_space<hbm>> -> memref<64xi32, #tpu.memory_space<hbm>>
    %dma_wait3A_43 = tpu.memref_slice %arg2[%dma_wait3A_40, %mul3A_2] : memref<3x2048xi32, #tpu.memory_space<hbm>> -> memref<1x64xi32, #tpu.memory_space<hbm>>
    %dma_wait3A_44 = tpu.memref_squeeze %dma_wait3A_43 : memref<1x64xi32, #tpu.memory_space<hbm>> -> memref<64xi32, #tpu.memory_space<hbm>>
    tpu.wait_dma2 semaphore(%arg22 : memref<!tpu.dma_semaphore, #tpu.memory_space<semaphore_mem>>) src(%dma_wait3A_44 : memref<64xi32, #tpu.memory_space<hbm>>) dst(%arg8 : memref<64xi32, #tpu.memory_space<vmem>>)
    %dma_wait3A_45 = arith.constant 2 : i32
    %dma_wait3A_46 = tpu.memref_slice %arg2[%dma_wait3A_45, %mul3A_2] : memref<3x2048xi32, #tpu.memory_space<hbm>> -> memref<1x64xi32, #tpu.memory_space<hbm>>
    %dma_wait3A_47 = tpu.memref_squeeze %dma_wait3A_46 : memref<1x64xi32, #tpu.memory_space<hbm>> -> memref<64xi32, #tpu.memory_space<hbm>>
    %dma_wait3A_48 = tpu.memref_slice %arg2[%dma_wait3A_45, %mul3A_2] : memref<3x2048xi32, #tpu.memory_space<hbm>> -> memref<1x64xi32, #tpu.memory_space<hbm>>
    %dma_wait3A_49 = tpu.memref_squeeze %dma_wait3A_48 : memref<1x64xi32, #tpu.memory_space<hbm>> -> memref<64xi32, #tpu.memory_space<hbm>>
    tpu.wait_dma2 semaphore(%arg22 : memref<!tpu.dma_semaphore, #tpu.memory_space<semaphore_mem>>) src(%dma_wait3A_49 : memref<64xi32, #tpu.memory_space<hbm>>) dst(%arg9 : memref<64xi32, #tpu.memory_space<vmem>>)
    %get3A = arith.constant 0 : index
    %get3A_50 = tpu.vector_load %arg7[%get3A] {strides = array<i32>} : memref<64xi32, #tpu.memory_space<vmem>>, vector<16xi32>,
    %get3A_51 = arith.constant 0 : index
    %get3A_52 = tpu.vector_load %arg8[%get3A_51] {strides = array<i32>} : memref<64xi32, #tpu.memory_space<vmem>>, vector<16xi32>,
    %get3A_53 = arith.constant 0 : index
    %get3A_54 = tpu.vector_load %arg9[%get3A_53] {strides = array<i32>} : memref<64xi32, #tpu.memory_space<vmem>>, vector<16xi32>,
    %shift_right_arithmetic3A = arith.constant 3 : i32
    %shift_right_arithmetic3A_55 = vector.broadcast %shift_right_arithmetic3A : i32 to vector<16xi32>
    %shift_right_arithmetic3A_56 = arith.shrsi %get3A_52, %shift_right_arithmetic3A_55 : vector<16xi32>
    %mul3A_57 = arith.constant 2 : i32
    %mul3A_58 = vector.broadcast %mul3A_57 : i32 to vector<16xi32>
    %mul3A_59 = arith.muli %shift_right_arithmetic3A_56, %mul3A_58 : vector<16xi32>
    %shift_right_arithmetic3A_60 = arith.constant 7 : i32
    %shift_right_arithmetic3A_61 = vector.broadcast %shift_right_arithmetic3A_60 : i32 to vector<16xi32>
    %shift_right_arithmetic3A_62 = arith.shrsi %get3A_54, %shift_right_arithmetic3A_61 : vector<16xi32>
    %add3A_63 = arith.addi %mul3A_59, %shift_right_arithmetic3A_62 : vector<16xi32>
    %mul3A_64 = arith.constant 1024 : i32
    %mul3A_65 = vector.broadcast %mul3A_64 : i32 to vector<16xi32>
    %mul3A_66 = arith.muli %add3A_63, %mul3A_65 : vector<16xi32>
    %mul3A_67 = arith.constant 65536 : i32
    %mul3A_68 = vector.broadcast %mul3A_67 : i32 to vector<16xi32>
    %mul3A_69 = arith.muli %get3A_50, %mul3A_68 : vector<16xi32>
    %add3A_70 = arith.addi %mul3A_69, %mul3A_66 : vector<16xi32>
    %and3A = arith.constant 7 : i32
    %and3A_71 = vector.broadcast %and3A : i32 to vector<16xi32>
    %and3A_72 = arith.andi %get3A_52, %and3A_71 : vector<16xi32>
    %mul3A_73 = arith.constant 128 : i32
    %mul3A_74 = vector.broadcast %mul3A_73 : i32 to vector<16xi32>
    %mul3A_75 = arith.muli %and3A_72, %mul3A_74 : vector<16xi32>
    %add3A_76 = arith.addi %add3A_70, %mul3A_75 : vector<16xi32>
    %and3A_77 = arith.constant 127 : i32
    %and3A_78 = vector.broadcast %and3A_77 : i32 to vector<16xi32>
    %and3A_79 = arith.andi %get3A_54, %and3A_78 : vector<16xi32>
    %add3A_80 = arith.addi %add3A_76, %and3A_79 : vector<16xi32>
    %swap3A = arith.constant 0 : index
    %swap3A_81 = tpu.vector_load %arg14[%swap3A] {strides = array<i32>} : memref<64xi32, #tpu.memory_space<vmem>>, vector<16xi32>,
    tpu.vector_store %arg14[%swap3A], %add3A_80 {strides = array<i32>} : memref<64xi32, #tpu.memory_space<vmem>>, vector<16xi32>,
    %add3A_82 = arith.constant 16777216 : i32
    %add3A_83 = vector.broadcast %add3A_82 : i32 to vector<16xi32>
    %add3A_84 = arith.addi %add3A_80, %add3A_83 : vector<16xi32>
    %swap3A_85 = arith.constant 0 : index
    %swap3A_86 = tpu.vector_load %arg15[%swap3A_85] {strides = array<i32>} : memref<64xi32, #tpu.memory_space<vmem>>, vector<16xi32>,
    tpu.vector_store %arg15[%swap3A_85], %add3A_84 {strides = array<i32>} : memref<64xi32, #tpu.memory_space<vmem>>, vector<16xi32>,
    %add3A_87 = arith.constant 33554432 : i32
    %add3A_88 = vector.broadcast %add3A_87 : i32 to vector<16xi32>
    %add3A_89 = arith.addi %add3A_80, %add3A_88 : vector<16xi32>
    %swap3A_90 = arith.constant 0 : index
    %swap3A_91 = tpu.vector_load %arg16[%swap3A_90] {strides = array<i32>} : memref<64xi32, #tpu.memory_space<vmem>>, vector<16xi32>,
    tpu.vector_store %arg16[%swap3A_90], %add3A_89 {strides = array<i32>} : memref<64xi32, #tpu.memory_space<vmem>>, vector<16xi32>,
    %get3A_92 = arith.constant 16 : index
    %get3A_93 = tpu.vector_load %arg7[%get3A_92] {strides = array<i32>} : memref<64xi32, #tpu.memory_space<vmem>>, vector<16xi32>,
    %get3A_94 = arith.constant 16 : index
    %get3A_95 = tpu.vector_load %arg8[%get3A_94] {strides = array<i32>} : memref<64xi32, #tpu.memory_space<vmem>>, vector<16xi32>,
    %get3A_96 = arith.constant 16 : index
    %get3A_97 = tpu.vector_load %arg9[%get3A_96] {strides = array<i32>} : memref<64xi32, #tpu.memory_space<vmem>>, vector<16xi32>,
    %shift_right_arithmetic3A_98 = arith.constant 3 : i32
    %shift_right_arithmetic3A_99 = vector.broadcast %shift_right_arithmetic3A_98 : i32 to vector<16xi32>
    %shift_right_arithmetic3A_100 = arith.shrsi %get3A_95, %shift_right_arithmetic3A_99 : vector<16xi32>
    %mul3A_101 = arith.constant 2 : i32
    %mul3A_102 = vector.broadcast %mul3A_101 : i32 to vector<16xi32>
    %mul3A_103 = arith.muli %shift_right_arithmetic3A_100, %mul3A_102 : vector<16xi32>
    %shift_right_arithmetic3A_104 = arith.constant 7 : i32
    %shift_right_arithmetic3A_105 = vector.broadcast %shift_right_arithmetic3A_104 : i32 to vector<16xi32>
    %shift_right_arithmetic3A_106 = arith.shrsi %get3A_97, %shift_right_arithmetic3A_105 : vector<16xi32>
    %add3A_107 = arith.addi %mul3A_103, %shift_right_arithmetic3A_106 : vector<16xi32>
    %mul3A_108 = arith.constant 1024 : i32
    %mul3A_109 = vector.broadcast %mul3A_108 : i32 to vector<16xi32>
    %mul3A_110 = arith.muli %add3A_107, %mul3A_109 : vector<16xi32>
    %mul3A_111 = arith.constant 65536 : i32
    %mul3A_112 = vector.broadcast %mul3A_111 : i32 to vector<16xi32>
    %mul3A_113 = arith.muli %get3A_93, %mul3A_112 : vector<16xi32>
    %add3A_114 = arith.addi %mul3A_113, %mul3A_110 : vector<16xi32>
    %and3A_115 = arith.constant 7 : i32
    %and3A_116 = vector.broadcast %and3A_115 : i32 to vector<16xi32>
    %and3A_117 = arith.andi %get3A_95, %and3A_116 : vector<16xi32>
    %mul3A_118 = arith.constant 128 : i32
    %mul3A_119 = vector.broadcast %mul3A_118 : i32 to vector<16xi32>
    %mul3A_120 = arith.muli %and3A_117, %mul3A_119 : vector<16xi32>
    %add3A_121 = arith.addi %add3A_114, %mul3A_120 : vector<16xi32>
    %and3A_122 = arith.constant 127 : i32
    %and3A_123 = vector.broadcast %and3A_122 : i32 to vector<16xi32>
    %and3A_124 = arith.andi %get3A_97, %and3A_123 : vector<16xi32>
    %add3A_125 = arith.addi %add3A_121, %and3A_124 : vector<16xi32>
    %swap3A_126 = arith.constant 16 : index
    %swap3A_127 = tpu.vector_load %arg14[%swap3A_126] {strides = array<i32>} : memref<64xi32, #tpu.memory_space<vmem>>, vector<16xi32>,
    tpu.vector_store %arg14[%swap3A_126], %add3A_125 {strides = array<i32>} : memref<64xi32, #tpu.memory_space<vmem>>, vector<16xi32>,
    %add3A_128 = arith.constant 16777216 : i32
    %add3A_129 = vector.broadcast %add3A_128 : i32 to vector<16xi32>
    %add3A_130 = arith.addi %add3A_125, %add3A_129 : vector<16xi32>
    %swap3A_131 = arith.constant 16 : index
    %swap3A_132 = tpu.vector_load %arg15[%swap3A_131] {strides = array<i32>} : memref<64xi32, #tpu.memory_space<vmem>>, vector<16xi32>,
    tpu.vector_store %arg15[%swap3A_131], %add3A_130 {strides = array<i32>} : memref<64xi32, #tpu.memory_space<vmem>>, vector<16xi32>,
    %add3A_133 = arith.constant 33554432 : i32
    %add3A_134 = vector.broadcast %add3A_133 : i32 to vector<16xi32>
    %add3A_135 = arith.addi %add3A_125, %add3A_134 : vector<16xi32>
    %swap3A_136 = arith.constant 16 : index
    %swap3A_137 = tpu.vector_load %arg16[%swap3A_136] {strides = array<i32>} : memref<64xi32, #tpu.memory_space<vmem>>, vector<16xi32>,
    tpu.vector_store %arg16[%swap3A_136], %add3A_135 {strides = array<i32>} : memref<64xi32, #tpu.memory_space<vmem>>, vector<16xi32>,
    %get3A_138 = arith.constant 32 : index
    %get3A_139 = tpu.vector_load %arg7[%get3A_138] {strides = array<i32>} : memref<64xi32, #tpu.memory_space<vmem>>, vector<16xi32>,
    %get3A_140 = arith.constant 32 : index
    %get3A_141 = tpu.vector_load %arg8[%get3A_140] {strides = array<i32>} : memref<64xi32, #tpu.memory_space<vmem>>, vector<16xi32>,
    %get3A_142 = arith.constant 32 : index
    %get3A_143 = tpu.vector_load %arg9[%get3A_142] {strides = array<i32>} : memref<64xi32, #tpu.memory_space<vmem>>, vector<16xi32>,
    %shift_right_arithmetic3A_144 = arith.constant 3 : i32
    %shift_right_arithmetic3A_145 = vector.broadcast %shift_right_arithmetic3A_144 : i32 to vector<16xi32>
    %shift_right_arithmetic3A_146 = arith.shrsi %get3A_141, %shift_right_arithmetic3A_145 : vector<16xi32>
    %mul3A_147 = arith.constant 2 : i32
    %mul3A_148 = vector.broadcast %mul3A_147 : i32 to vector<16xi32>
    %mul3A_149 = arith.muli %shift_right_arithmetic3A_146, %mul3A_148 : vector<16xi32>
    %shift_right_arithmetic3A_150 = arith.constant 7 : i32
    %shift_right_arithmetic3A_151 = vector.broadcast %shift_right_arithmetic3A_150 : i32 to vector<16xi32>
    %shift_right_arithmetic3A_152 = arith.shrsi %get3A_143, %shift_right_arithmetic3A_151 : vector<16xi32>
    %add3A_153 = arith.addi %mul3A_149, %shift_right_arithmetic3A_152 : vector<16xi32>
    %mul3A_154 = arith.constant 1024 : i32
    %mul3A_155 = vector.broadcast %mul3A_154 : i32 to vector<16xi32>
    %mul3A_156 = arith.muli %add3A_153, %mul3A_155 : vector<16xi32>
    %mul3A_157 = arith.constant 65536 : i32
    %mul3A_158 = vector.broadcast %mul3A_157 : i32 to vector<16xi32>
    %mul3A_159 = arith.muli %get3A_139, %mul3A_158 : vector<16xi32>
    %add3A_160 = arith.addi %mul3A_159, %mul3A_156 : vector<16xi32>
    %and3A_161 = arith.constant 7 : i32
    %and3A_162 = vector.broadcast %and3A_161 : i32 to vector<16xi32>
    %and3A_163 = arith.andi %get3A_141, %and3A_162 : vector<16xi32>
    %mul3A_164 = arith.constant 128 : i32
    %mul3A_165 = vector.broadcast %mul3A_164 : i32 to vector<16xi32>
    %mul3A_166 = arith.muli %and3A_163, %mul3A_165 : vector<16xi32>
    %add3A_167 = arith.addi %add3A_160, %mul3A_166 : vector<16xi32>
    %and3A_168 = arith.constant 127 : i32
    %and3A_169 = vector.broadcast %and3A_168 : i32 to vector<16xi32>
    %and3A_170 = arith.andi %get3A_143, %and3A_169 : vector<16xi32>
    %add3A_171 = arith.addi %add3A_167, %and3A_170 : vector<16xi32>
    %swap3A_172 = arith.constant 32 : index
    %swap3A_173 = tpu.vector_load %arg14[%swap3A_172] {strides = array<i32>} : memref<64xi32, #tpu.memory_space<vmem>>, vector<16xi32>,
    tpu.vector_store %arg14[%swap3A_172], %add3A_171 {strides = array<i32>} : memref<64xi32, #tpu.memory_space<vmem>>, vector<16xi32>,
    %add3A_174 = arith.constant 16777216 : i32
    %add3A_175 = vector.broadcast %add3A_174 : i32 to vector<16xi32>
    %add3A_176 = arith.addi %add3A_171, %add3A_175 : vector<16xi32>
    %swap3A_177 = arith.constant 32 : index
    %swap3A_178 = tpu.vector_load %arg15[%swap3A_177] {strides = array<i32>} : memref<64xi32, #tpu.memory_space<vmem>>, vector<16xi32>,
    tpu.vector_store %arg15[%swap3A_177], %add3A_176 {strides = array<i32>} : memref<64xi32, #tpu.memory_space<vmem>>, vector<16xi32>,
    %add3A_179 = arith.constant 33554432 : i32
    %add3A_180 = vector.broadcast %add3A_179 : i32 to vector<16xi32>
    %add3A_181 = arith.addi %add3A_171, %add3A_180 : vector<16xi32>
    %swap3A_182 = arith.constant 32 : index
    %swap3A_183 = tpu.vector_load %arg16[%swap3A_182] {strides = array<i32>} : memref<64xi32, #tpu.memory_space<vmem>>, vector<16xi32>,
    tpu.vector_store %arg16[%swap3A_182], %add3A_181 {strides = array<i32>} : memref<64xi32, #tpu.memory_space<vmem>>, vector<16xi32>,
    %get3A_184 = arith.constant 48 : index
    %get3A_185 = tpu.vector_load %arg7[%get3A_184] {strides = array<i32>} : memref<64xi32, #tpu.memory_space<vmem>>, vector<16xi32>,
    %get3A_186 = arith.constant 48 : index
    %get3A_187 = tpu.vector_load %arg8[%get3A_186] {strides = array<i32>} : memref<64xi32, #tpu.memory_space<vmem>>, vector<16xi32>,
    %get3A_188 = arith.constant 48 : index
    %get3A_189 = tpu.vector_load %arg9[%get3A_188] {strides = array<i32>} : memref<64xi32, #tpu.memory_space<vmem>>, vector<16xi32>,
    %shift_right_arithmetic3A_190 = arith.constant 3 : i32
    %shift_right_arithmetic3A_191 = vector.broadcast %shift_right_arithmetic3A_190 : i32 to vector<16xi32>
    %shift_right_arithmetic3A_192 = arith.shrsi %get3A_187, %shift_right_arithmetic3A_191 : vector<16xi32>
    %mul3A_193 = arith.constant 2 : i32
    %mul3A_194 = vector.broadcast %mul3A_193 : i32 to vector<16xi32>
    %mul3A_195 = arith.muli %shift_right_arithmetic3A_192, %mul3A_194 : vector<16xi32>
    %shift_right_arithmetic3A_196 = arith.constant 7 : i32
    %shift_right_arithmetic3A_197 = vector.broadcast %shift_right_arithmetic3A_196 : i32 to vector<16xi32>
    %shift_right_arithmetic3A_198 = arith.shrsi %get3A_189, %shift_right_arithmetic3A_197 : vector<16xi32>
    %add3A_199 = arith.addi %mul3A_195, %shift_right_arithmetic3A_198 : vector<16xi32>
    %mul3A_200 = arith.constant 1024 : i32
    %mul3A_201 = vector.broadcast %mul3A_200 : i32 to vector<16xi32>
    %mul3A_202 = arith.muli %add3A_199, %mul3A_201 : vector<16xi32>
    %mul3A_203 = arith.constant 65536 : i32
    %mul3A_204 = vector.broadcast %mul3A_203 : i32 to vector<16xi32>
    %mul3A_205 = arith.muli %get3A_185, %mul3A_204 : vector<16xi32>
    %add3A_206 = arith.addi %mul3A_205, %mul3A_202 : vector<16xi32>
    %and3A_207 = arith.constant 7 : i32
    %and3A_208 = vector.broadcast %and3A_207 : i32 to vector<16xi32>
    %and3A_209 = arith.andi %get3A_187, %and3A_208 : vector<16xi32>
    %mul3A_210 = arith.constant 128 : i32
    %mul3A_211 = vector.broadcast %mul3A_210 : i32 to vector<16xi32>
    %mul3A_212 = arith.muli %and3A_209, %mul3A_211 : vector<16xi32>
    %add3A_213 = arith.addi %add3A_206, %mul3A_212 : vector<16xi32>
    %and3A_214 = arith.constant 127 : i32
    %and3A_215 = vector.broadcast %and3A_214 : i32 to vector<16xi32>
    %and3A_216 = arith.andi %get3A_189, %and3A_215 : vector<16xi32>
    %add3A_217 = arith.addi %add3A_213, %and3A_216 : vector<16xi32>
    %swap3A_218 = arith.constant 48 : index
    %swap3A_219 = tpu.vector_load %arg14[%swap3A_218] {strides = array<i32>} : memref<64xi32, #tpu.memory_space<vmem>>, vector<16xi32>,
    tpu.vector_store %arg14[%swap3A_218], %add3A_217 {strides = array<i32>} : memref<64xi32, #tpu.memory_space<vmem>>, vector<16xi32>,
    %add3A_220 = arith.constant 16777216 : i32
    %add3A_221 = vector.broadcast %add3A_220 : i32 to vector<16xi32>
    %add3A_222 = arith.addi %add3A_217, %add3A_221 : vector<16xi32>
    %swap3A_223 = arith.constant 48 : index
    %swap3A_224 = tpu.vector_load %arg15[%swap3A_223] {strides = array<i32>} : memref<64xi32, #tpu.memory_space<vmem>>, vector<16xi32>,
    tpu.vector_store %arg15[%swap3A_223], %add3A_222 {strides = array<i32>} : memref<64xi32, #tpu.memory_space<vmem>>, vector<16xi32>,
    %add3A_225 = arith.constant 33554432 : i32
    %add3A_226 = vector.broadcast %add3A_225 : i32 to vector<16xi32>
    %add3A_227 = arith.addi %add3A_217, %add3A_226 : vector<16xi32>
    %swap3A_228 = arith.constant 48 : index
    %swap3A_229 = tpu.vector_load %arg16[%swap3A_228] {strides = array<i32>} : memref<64xi32, #tpu.memory_space<vmem>>, vector<16xi32>,
    tpu.vector_store %arg16[%swap3A_228], %add3A_227 {strides = array<i32>} : memref<64xi32, #tpu.memory_space<vmem>>, vector<16xi32>,
    %dma_start3A_230 = arith.constant 0 : i32
    %dma_start3A_231 = tpu.memref_slice %arg4[%dma_start3A_230] : memref<50331648xf32, #tpu.memory_space<hbm>> -> memref<50331648xf32, #tpu.memory_space<hbm>>
    tpu.enqueue_indirect_dma source(%dma_start3A_231 : memref<50331648xf32, #tpu.memory_space<hbm>>) target(%arg17 : memref<64xf32, #tpu.memory_space<vmem>>) offsets(%arg14 : memref<64xi32, #tpu.memory_space<vmem>>) semaphore(%arg21 : memref<!tpu.dma_semaphore, #tpu.memory_space<semaphore_mem>>)
    %dma_start3A_232 = arith.constant 0 : i32
    %dma_start3A_233 = tpu.memref_slice %arg4[%dma_start3A_232] : memref<50331648xf32, #tpu.memory_space<hbm>> -> memref<50331648xf32, #tpu.memory_space<hbm>>
    tpu.enqueue_indirect_dma source(%dma_start3A_233 : memref<50331648xf32, #tpu.memory_space<hbm>>) target(%arg18 : memref<64xf32, #tpu.memory_space<vmem>>) offsets(%arg15 : memref<64xi32, #tpu.memory_space<vmem>>) semaphore(%arg21 : memref<!tpu.dma_semaphore, #tpu.memory_space<semaphore_mem>>)
    %dma_start3A_234 = arith.constant 0 : i32
    %dma_start3A_235 = tpu.memref_slice %arg4[%dma_start3A_234] : memref<50331648xf32, #tpu.memory_space<hbm>> -> memref<50331648xf32, #tpu.memory_space<hbm>>
    tpu.enqueue_indirect_dma source(%dma_start3A_235 : memref<50331648xf32, #tpu.memory_space<hbm>>) target(%arg19 : memref<64xf32, #tpu.memory_space<vmem>>) offsets(%arg16 : memref<64xi32, #tpu.memory_space<vmem>>) semaphore(%arg21 : memref<!tpu.dma_semaphore, #tpu.memory_space<semaphore_mem>>)
    %dma_wait3A_236 = arith.constant 0 : i32
    %dma_wait3A_237 = tpu.memref_slice %arg13[%dma_wait3A_236] : memref<16xf32, #tpu.memory_space<vmem>> -> memref<3xf32, #tpu.memory_space<vmem>>
    %dma_wait3A_238 = arith.constant 0 : i32
    %dma_wait3A_239 = tpu.memref_slice %arg13[%dma_wait3A_238] : memref<16xf32, #tpu.memory_space<vmem>> -> memref<3xf32, #tpu.memory_space<vmem>>
    tpu.wait_dma2 semaphore(%arg24 : memref<!tpu.dma_semaphore, #tpu.memory_space<semaphore_mem>>) src(%arg5 : memref<3xf32, #tpu.memory_space<hbm>>) dst(%dma_wait3A_239 : memref<3xf32, #tpu.memory_space<vmem>>)
    %get3A_240 = arith.constant 0 : index
    %get3A_241 = tpu.vector_load %arg13[%get3A_240] {strides = array<i32>} : memref<16xf32, #tpu.memory_space<vmem>>, vector<16xf32>,
    %dma_wait3A_242 = arith.constant 0 : i32
    %dma_wait3A_243 = tpu.memref_slice %arg3[%dma_wait3A_242, %mul3A_2] : memref<3x2048xi32, #tpu.memory_space<hbm>> -> memref<1x64xi32, #tpu.memory_space<hbm>>
    %dma_wait3A_244 = tpu.memref_squeeze %dma_wait3A_243 : memref<1x64xi32, #tpu.memory_space<hbm>> -> memref<64xi32, #tpu.memory_space<hbm>>
    %dma_wait3A_245 = tpu.memref_slice %arg3[%dma_wait3A_242, %mul3A_2] : memref<3x2048xi32, #tpu.memory_space<hbm>> -> memref<1x64xi32, #tpu.memory_space<hbm>>
    %dma_wait3A_246 = tpu.memref_squeeze %dma_wait3A_245 : memref<1x64xi32, #tpu.memory_space<hbm>> -> memref<64xi32, #tpu.memory_space<hbm>>
    tpu.wait_dma2 semaphore(%arg23 : memref<!tpu.dma_semaphore, #tpu.memory_space<semaphore_mem>>) src(%dma_wait3A_246 : memref<64xi32, #tpu.memory_space<hbm>>) dst(%arg10 : memref<64xi32, #tpu.memory_space<vmem>>)
    %dma_wait3A_247 = arith.constant 1 : i32
    %dma_wait3A_248 = tpu.memref_slice %arg3[%dma_wait3A_247, %mul3A_2] : memref<3x2048xi32, #tpu.memory_space<hbm>> -> memref<1x64xi32, #tpu.memory_space<hbm>>
    %dma_wait3A_249 = tpu.memref_squeeze %dma_wait3A_248 : memref<1x64xi32, #tpu.memory_space<hbm>> -> memref<64xi32, #tpu.memory_space<hbm>>
    %dma_wait3A_250 = tpu.memref_slice %arg3[%dma_wait3A_247, %mul3A_2] : memref<3x2048xi32, #tpu.memory_space<hbm>> -> memref<1x64xi32, #tpu.memory_space<hbm>>
    %dma_wait3A_251 = tpu.memref_squeeze %dma_wait3A_250 : memref<1x64xi32, #tpu.memory_space<hbm>> -> memref<64xi32, #tpu.memory_space<hbm>>
    tpu.wait_dma2 semaphore(%arg23 : memref<!tpu.dma_semaphore, #tpu.memory_space<semaphore_mem>>) src(%dma_wait3A_251 : memref<64xi32, #tpu.memory_space<hbm>>) dst(%arg11 : memref<64xi32, #tpu.memory_space<vmem>>)
    %dma_wait3A_252 = arith.constant 2 : i32
    %dma_wait3A_253 = tpu.memref_slice %arg3[%dma_wait3A_252, %mul3A_2] : memref<3x2048xi32, #tpu.memory_space<hbm>> -> memref<1x64xi32, #tpu.memory_space<hbm>>
    %dma_wait3A_254 = tpu.memref_squeeze %dma_wait3A_253 : memref<1x64xi32, #tpu.memory_space<hbm>> -> memref<64xi32, #tpu.memory_space<hbm>>
    %dma_wait3A_255 = tpu.memref_slice %arg3[%dma_wait3A_252, %mul3A_2] : memref<3x2048xi32, #tpu.memory_space<hbm>> -> memref<1x64xi32, #tpu.memory_space<hbm>>
    %dma_wait3A_256 = tpu.memref_squeeze %dma_wait3A_255 : memref<1x64xi32, #tpu.memory_space<hbm>> -> memref<64xi32, #tpu.memory_space<hbm>>
    tpu.wait_dma2 semaphore(%arg23 : memref<!tpu.dma_semaphore, #tpu.memory_space<semaphore_mem>>) src(%dma_wait3A_256 : memref<64xi32, #tpu.memory_space<hbm>>) dst(%arg12 : memref<64xi32, #tpu.memory_space<vmem>>)
    %dma_wait3A_257 = arith.constant 0 : i32
    %dma_wait3A_258 = tpu.memref_slice %arg4[%dma_wait3A_257] : memref<50331648xf32, #tpu.memory_space<hbm>> -> memref<50331648xf32, #tpu.memory_space<hbm>>
    tpu.wait_indirect_dma semaphore(%arg21 : memref<!tpu.dma_semaphore, #tpu.memory_space<semaphore_mem>>) src(%dma_wait3A_258 : memref<50331648xf32, #tpu.memory_space<hbm>>) dst(%arg17 : memref<64xf32, #tpu.memory_space<vmem>>)
    %dma_wait3A_259 = arith.constant 0 : i32
    %dma_wait3A_260 = tpu.memref_slice %arg4[%dma_wait3A_259] : memref<50331648xf32, #tpu.memory_space<hbm>> -> memref<50331648xf32, #tpu.memory_space<hbm>>
    tpu.wait_indirect_dma semaphore(%arg21 : memref<!tpu.dma_semaphore, #tpu.memory_space<semaphore_mem>>) src(%dma_wait3A_260 : memref<50331648xf32, #tpu.memory_space<hbm>>) dst(%arg18 : memref<64xf32, #tpu.memory_space<vmem>>)
    %dma_wait3A_261 = arith.constant 0 : i32
    %dma_wait3A_262 = tpu.memref_slice %arg4[%dma_wait3A_261] : memref<50331648xf32, #tpu.memory_space<hbm>> -> memref<50331648xf32, #tpu.memory_space<hbm>>
    tpu.wait_indirect_dma semaphore(%arg21 : memref<!tpu.dma_semaphore, #tpu.memory_space<semaphore_mem>>) src(%dma_wait3A_262 : memref<50331648xf32, #tpu.memory_space<hbm>>) dst(%arg19 : memref<64xf32, #tpu.memory_space<vmem>>)
    %get3A_263 = arith.constant 0 : index
    %get3A_264 = tpu.vector_load %arg7[%get3A_263] {strides = array<i32>} : memref<64xi32, #tpu.memory_space<vmem>>, vector<16xi32>,
    %convert_element_type3A = arith.sitofp %get3A_264 : vector<16xi32> to vector<16xf32>
    %get3A_265 = arith.constant 0 : index
    %get3A_266 = tpu.vector_load %arg17[%get3A_265] {strides = array<i32>} : memref<64xf32, #tpu.memory_space<vmem>>, vector<16xf32>,
    %add3A_267 = arith.addf %convert_element_type3A, %get3A_266 : vector<16xf32>
    %get3A_268 = arith.constant 0 : index
    %get3A_269 = tpu.vector_load %arg10[%get3A_268] {strides = array<i32>} : memref<64xi32, #tpu.memory_space<vmem>>, vector<16xi32>,
    %convert_element_type3A_270 = arith.sitofp %get3A_269 : vector<16xi32> to vector<16xf32>
    %sub3A = arith.subf %add3A_267, %convert_element_type3A_270 : vector<16xf32>
    %slice3A = vector.extract_strided_slice %get3A_241 {offsets = [0], sizes = [1], strides = [1]} : vector<16xf32> to vector<1xf32>
    %squeeze3A = vector.extract %slice3A[0] : f32 from vector<1xf32>
    %mul3A_271 = vector.broadcast %squeeze3A : f32 to vector<16xf32>
    %mul3A_272 = arith.mulf %sub3A, %mul3A_271 : vector<16xf32>
    %swap3A_273 = arith.constant 0 : i32
    %swap3A_274 = arith.index_cast %swap3A_273 : i32 to index
    %swap3A_275 = arith.constant 0 : index
    %swap3A_276 = tpu.vector_load %arg20[%swap3A_274, %swap3A_275] {strides = array<i32>} : memref<3x64xf32, #tpu.memory_space<vmem>>, vector<16xf32>,
    tpu.vector_store %arg20[%swap3A_274, %swap3A_275], %mul3A_272 {strides = array<i32>} : memref<3x64xf32, #tpu.memory_space<vmem>>, vector<16xf32>,
    %get3A_277 = arith.constant 16 : index
    %get3A_278 = tpu.vector_load %arg7[%get3A_277] {strides = array<i32>} : memref<64xi32, #tpu.memory_space<vmem>>, vector<16xi32>,
    %convert_element_type3A_279 = arith.sitofp %get3A_278 : vector<16xi32> to vector<16xf32>
    %get3A_280 = arith.constant 16 : index
    %get3A_281 = tpu.vector_load %arg17[%get3A_280] {strides = array<i32>} : memref<64xf32, #tpu.memory_space<vmem>>, vector<16xf32>,
    %add3A_282 = arith.addf %convert_element_type3A_279, %get3A_281 : vector<16xf32>
    %get3A_283 = arith.constant 16 : index
    %get3A_284 = tpu.vector_load %arg10[%get3A_283] {strides = array<i32>} : memref<64xi32, #tpu.memory_space<vmem>>, vector<16xi32>,
    %convert_element_type3A_285 = arith.sitofp %get3A_284 : vector<16xi32> to vector<16xf32>
    %sub3A_286 = arith.subf %add3A_282, %convert_element_type3A_285 : vector<16xf32>
    %slice3A_287 = vector.extract_strided_slice %get3A_241 {offsets = [0], sizes = [1], strides = [1]} : vector<16xf32> to vector<1xf32>
    %squeeze3A_288 = vector.extract %slice3A_287[0] : f32 from vector<1xf32>
    %mul3A_289 = vector.broadcast %squeeze3A_288 : f32 to vector<16xf32>
    %mul3A_290 = arith.mulf %sub3A_286, %mul3A_289 : vector<16xf32>
    %swap3A_291 = arith.constant 0 : i32
    %swap3A_292 = arith.index_cast %swap3A_291 : i32 to index
    %swap3A_293 = arith.constant 16 : index
    %swap3A_294 = tpu.vector_load %arg20[%swap3A_292, %swap3A_293] {strides = array<i32>} : memref<3x64xf32, #tpu.memory_space<vmem>>, vector<16xf32>,
    tpu.vector_store %arg20[%swap3A_292, %swap3A_293], %mul3A_290 {strides = array<i32>} : memref<3x64xf32, #tpu.memory_space<vmem>>, vector<16xf32>,
    %get3A_295 = arith.constant 32 : index
    %get3A_296 = tpu.vector_load %arg7[%get3A_295] {strides = array<i32>} : memref<64xi32, #tpu.memory_space<vmem>>, vector<16xi32>,
    %convert_element_type3A_297 = arith.sitofp %get3A_296 : vector<16xi32> to vector<16xf32>
    %get3A_298 = arith.constant 32 : index
    %get3A_299 = tpu.vector_load %arg17[%get3A_298] {strides = array<i32>} : memref<64xf32, #tpu.memory_space<vmem>>, vector<16xf32>,
    %add3A_300 = arith.addf %convert_element_type3A_297, %get3A_299 : vector<16xf32>
    %get3A_301 = arith.constant 32 : index
    %get3A_302 = tpu.vector_load %arg10[%get3A_301] {strides = array<i32>} : memref<64xi32, #tpu.memory_space<vmem>>, vector<16xi32>,
    %convert_element_type3A_303 = arith.sitofp %get3A_302 : vector<16xi32> to vector<16xf32>
    %sub3A_304 = arith.subf %add3A_300, %convert_element_type3A_303 : vector<16xf32>
    %slice3A_305 = vector.extract_strided_slice %get3A_241 {offsets = [0], sizes = [1], strides = [1]} : vector<16xf32> to vector<1xf32>
    %squeeze3A_306 = vector.extract %slice3A_305[0] : f32 from vector<1xf32>
    %mul3A_307 = vector.broadcast %squeeze3A_306 : f32 to vector<16xf32>
    %mul3A_308 = arith.mulf %sub3A_304, %mul3A_307 : vector<16xf32>
    %swap3A_309 = arith.constant 0 : i32
    %swap3A_310 = arith.index_cast %swap3A_309 : i32 to index
    %swap3A_311 = arith.constant 32 : index
    %swap3A_312 = tpu.vector_load %arg20[%swap3A_310, %swap3A_311] {strides = array<i32>} : memref<3x64xf32, #tpu.memory_space<vmem>>, vector<16xf32>,
    tpu.vector_store %arg20[%swap3A_310, %swap3A_311], %mul3A_308 {strides = array<i32>} : memref<3x64xf32, #tpu.memory_space<vmem>>, vector<16xf32>,
    %get3A_313 = arith.constant 48 : index
    %get3A_314 = tpu.vector_load %arg7[%get3A_313] {strides = array<i32>} : memref<64xi32, #tpu.memory_space<vmem>>, vector<16xi32>,
    %convert_element_type3A_315 = arith.sitofp %get3A_314 : vector<16xi32> to vector<16xf32>
    %get3A_316 = arith.constant 48 : index
    %get3A_317 = tpu.vector_load %arg17[%get3A_316] {strides = array<i32>} : memref<64xf32, #tpu.memory_space<vmem>>, vector<16xf32>,
    %add3A_318 = arith.addf %convert_element_type3A_315, %get3A_317 : vector<16xf32>
    %get3A_319 = arith.constant 48 : index
    %get3A_320 = tpu.vector_load %arg10[%get3A_319] {strides = array<i32>} : memref<64xi32, #tpu.memory_space<vmem>>, vector<16xi32>,
    %convert_element_type3A_321 = arith.sitofp %get3A_320 : vector<16xi32> to vector<16xf32>
    %sub3A_322 = arith.subf %add3A_318, %convert_element_type3A_321 : vector<16xf32>
    %slice3A_323 = vector.extract_strided_slice %get3A_241 {offsets = [0], sizes = [1], strides = [1]} : vector<16xf32> to vector<1xf32>
    %squeeze3A_324 = vector.extract %slice3A_323[0] : f32 from vector<1xf32>
    %mul3A_325 = vector.broadcast %squeeze3A_324 : f32 to vector<16xf32>
    %mul3A_326 = arith.mulf %sub3A_322, %mul3A_325 : vector<16xf32>
    %swap3A_327 = arith.constant 0 : i32
    %swap3A_328 = arith.index_cast %swap3A_327 : i32 to index
    %swap3A_329 = arith.constant 48 : index
    %swap3A_330 = tpu.vector_load %arg20[%swap3A_328, %swap3A_329] {strides = array<i32>} : memref<3x64xf32, #tpu.memory_space<vmem>>, vector<16xf32>,
    tpu.vector_store %arg20[%swap3A_328, %swap3A_329], %mul3A_326 {strides = array<i32>} : memref<3x64xf32, #tpu.memory_space<vmem>>, vector<16xf32>,
    %run_scoped3A = arith.constant 0 : i32
    %run_scoped3A_331 = arith.constant 0 : i32
    "tpu.region"() ({
      %run_scoped3A_480 = tpu.sem_alloc : memref<!tpu.dma_semaphore, #tpu.memory_space<semaphore_mem>>
      %dma_start3A_481 = arith.constant 0 : i32
      %dma_start3A_482 = tpu.memref_slice %arg20[%run_scoped3A, %dma_start3A_481] : memref<3x64xf32, #tpu.memory_space<vmem>> -> memref<1x64xf32, #tpu.memory_space<vmem>>
      %dma_start3A_483 = tpu.memref_squeeze %dma_start3A_482 : memref<1x64xf32, #tpu.memory_space<vmem>> -> memref<64xf32, #tpu.memory_space<vmem>>
      %dma_start3A_484 = tpu.memref_slice %arg6[%run_scoped3A_331, %mul3A_2] : memref<3x2048xf32, #tpu.memory_space<hbm>> -> memref<1x64xf32, #tpu.memory_space<hbm>>
      %dma_start3A_485 = tpu.memref_squeeze %dma_start3A_484 : memref<1x64xf32, #tpu.memory_space<hbm>> -> memref<64xf32, #tpu.memory_space<hbm>>
      %dma_start3A_486 = tpu.memref_slice %arg6[%run_scoped3A_331, %mul3A_2] : memref<3x2048xf32, #tpu.memory_space<hbm>> -> memref<1x64xf32, #tpu.memory_space<hbm>>
      %dma_start3A_487 = tpu.memref_squeeze %dma_start3A_486 : memref<1x64xf32, #tpu.memory_space<hbm>> -> memref<64xf32, #tpu.memory_space<hbm>>
      %dma_start3A_488 = arith.constant 0 : i32
      %dma_start3A_489 = tpu.memref_slice %arg20[%run_scoped3A, %dma_start3A_488] : memref<3x64xf32, #tpu.memory_space<vmem>> -> memref<1x64xf32, #tpu.memory_space<vmem>>
      %dma_start3A_490 = tpu.memref_squeeze %dma_start3A_489 : memref<1x64xf32, #tpu.memory_space<vmem>> -> memref<64xf32, #tpu.memory_space<vmem>>
      tpu.enqueue_dma source(%dma_start3A_490 : memref<64xf32, #tpu.memory_space<vmem>>) target(%dma_start3A_487 : memref<64xf32, #tpu.memory_space<hbm>>) target_semaphore(%run_scoped3A_480 : memref<!tpu.dma_semaphore, #tpu.memory_space<semaphore_mem>>)
      %dma_wait3A_491 = arith.constant 0 : i32
      %dma_wait3A_492 = tpu.memref_slice %arg20[%run_scoped3A, %dma_wait3A_491] : memref<3x64xf32, #tpu.memory_space<vmem>> -> memref<1x64xf32, #tpu.memory_space<vmem>>
      %dma_wait3A_493 = tpu.memref_squeeze %dma_wait3A_492 : memref<1x64xf32, #tpu.memory_space<vmem>> -> memref<64xf32, #tpu.memory_space<vmem>>
      %dma_wait3A_494 = tpu.memref_slice %arg6[%run_scoped3A_331, %mul3A_2] : memref<3x2048xf32, #tpu.memory_space<hbm>> -> memref<1x64xf32, #tpu.memory_space<hbm>>
      %dma_wait3A_495 = tpu.memref_squeeze %dma_wait3A_494 : memref<1x64xf32, #tpu.memory_space<hbm>> -> memref<64xf32, #tpu.memory_space<hbm>>
      %dma_wait3A_496 = tpu.memref_slice %arg6[%run_scoped3A_331, %mul3A_2] : memref<3x2048xf32, #tpu.memory_space<hbm>> -> memref<1x64xf32, #tpu.memory_space<hbm>>
      %dma_wait3A_497 = tpu.memref_squeeze %dma_wait3A_496 : memref<1x64xf32, #tpu.memory_space<hbm>> -> memref<64xf32, #tpu.memory_space<hbm>>
      %dma_wait3A_498 = arith.constant 0 : i32
      %dma_wait3A_499 = tpu.memref_slice %arg20[%run_scoped3A, %dma_wait3A_498] : memref<3x64xf32, #tpu.memory_space<vmem>> -> memref<1x64xf32, #tpu.memory_space<vmem>>
      %dma_wait3A_500 = tpu.memref_squeeze %dma_wait3A_499 : memref<1x64xf32, #tpu.memory_space<vmem>> -> memref<64xf32, #tpu.memory_space<vmem>>
      tpu.wait_dma2 semaphore(%run_scoped3A_480 : memref<!tpu.dma_semaphore, #tpu.memory_space<semaphore_mem>>) src(%dma_wait3A_500 : memref<64xf32, #tpu.memory_space<vmem>>) dst(%dma_wait3A_497 : memref<64xf32, #tpu.memory_space<hbm>>)
      tpu.yield
    }) : () -> ()
    %get3A_332 = arith.constant 0 : index
    %get3A_333 = tpu.vector_load %arg8[%get3A_332] {strides = array<i32>} : memref<64xi32, #tpu.memory_space<vmem>>, vector<16xi32>,
    %convert_element_type3A_334 = arith.sitofp %get3A_333 : vector<16xi32> to vector<16xf32>
    %get3A_335 = arith.constant 0 : index
    %get3A_336 = tpu.vector_load %arg18[%get3A_335] {strides = array<i32>} : memref<64xf32, #tpu.memory_space<vmem>>, vector<16xf32>,
    %add3A_337 = arith.addf %convert_element_type3A_334, %get3A_336 : vector<16xf32>
    %get3A_338 = arith.constant 0 : index
    %get3A_339 = tpu.vector_load %arg11[%get3A_338] {strides = array<i32>} : memref<64xi32, #tpu.memory_space<vmem>>, vector<16xi32>,
    %convert_element_type3A_340 = arith.sitofp %get3A_339 : vector<16xi32> to vector<16xf32>
    %sub3A_341 = arith.subf %add3A_337, %convert_element_type3A_340 : vector<16xf32>
    %slice3A_342 = vector.extract_strided_slice %get3A_241 {offsets = [1], sizes = [1], strides = [1]} : vector<16xf32> to vector<1xf32>
    %squeeze3A_343 = vector.extract %slice3A_342[0] : f32 from vector<1xf32>
    %mul3A_344 = vector.broadcast %squeeze3A_343 : f32 to vector<16xf32>
    %mul3A_345 = arith.mulf %sub3A_341, %mul3A_344 : vector<16xf32>
    %swap3A_346 = arith.constant 1 : i32
    %swap3A_347 = arith.index_cast %swap3A_346 : i32 to index
    %swap3A_348 = arith.constant 0 : index
    %swap3A_349 = tpu.vector_load %arg20[%swap3A_347, %swap3A_348] {strides = array<i32>} : memref<3x64xf32, #tpu.memory_space<vmem>>, vector<16xf32>,
    tpu.vector_store %arg20[%swap3A_347, %swap3A_348], %mul3A_345 {strides = array<i32>} : memref<3x64xf32, #tpu.memory_space<vmem>>, vector<16xf32>,
    %get3A_350 = arith.constant 16 : index
    %get3A_351 = tpu.vector_load %arg8[%get3A_350] {strides = array<i32>} : memref<64xi32, #tpu.memory_space<vmem>>, vector<16xi32>,
    %convert_element_type3A_352 = arith.sitofp %get3A_351 : vector<16xi32> to vector<16xf32>
    %get3A_353 = arith.constant 16 : index
    %get3A_354 = tpu.vector_load %arg18[%get3A_353] {strides = array<i32>} : memref<64xf32, #tpu.memory_space<vmem>>, vector<16xf32>,
    %add3A_355 = arith.addf %convert_element_type3A_352, %get3A_354 : vector<16xf32>
    %get3A_356 = arith.constant 16 : index
    %get3A_357 = tpu.vector_load %arg11[%get3A_356] {strides = array<i32>} : memref<64xi32, #tpu.memory_space<vmem>>, vector<16xi32>,
    %convert_element_type3A_358 = arith.sitofp %get3A_357 : vector<16xi32> to vector<16xf32>
    %sub3A_359 = arith.subf %add3A_355, %convert_element_type3A_358 : vector<16xf32>
    %slice3A_360 = vector.extract_strided_slice %get3A_241 {offsets = [1], sizes = [1], strides = [1]} : vector<16xf32> to vector<1xf32>
    %squeeze3A_361 = vector.extract %slice3A_360[0] : f32 from vector<1xf32>
    %mul3A_362 = vector.broadcast %squeeze3A_361 : f32 to vector<16xf32>
    %mul3A_363 = arith.mulf %sub3A_359, %mul3A_362 : vector<16xf32>
    %swap3A_364 = arith.constant 1 : i32
    %swap3A_365 = arith.index_cast %swap3A_364 : i32 to index
    %swap3A_366 = arith.constant 16 : index
    %swap3A_367 = tpu.vector_load %arg20[%swap3A_365, %swap3A_366] {strides = array<i32>} : memref<3x64xf32, #tpu.memory_space<vmem>>, vector<16xf32>,
    tpu.vector_store %arg20[%swap3A_365, %swap3A_366], %mul3A_363 {strides = array<i32>} : memref<3x64xf32, #tpu.memory_space<vmem>>, vector<16xf32>,
    %get3A_368 = arith.constant 32 : index
    %get3A_369 = tpu.vector_load %arg8[%get3A_368] {strides = array<i32>} : memref<64xi32, #tpu.memory_space<vmem>>, vector<16xi32>,
    %convert_element_type3A_370 = arith.sitofp %get3A_369 : vector<16xi32> to vector<16xf32>
    %get3A_371 = arith.constant 32 : index
    %get3A_372 = tpu.vector_load %arg18[%get3A_371] {strides = array<i32>} : memref<64xf32, #tpu.memory_space<vmem>>, vector<16xf32>,
    %add3A_373 = arith.addf %convert_element_type3A_370, %get3A_372 : vector<16xf32>
    %get3A_374 = arith.constant 32 : index
    %get3A_375 = tpu.vector_load %arg11[%get3A_374] {strides = array<i32>} : memref<64xi32, #tpu.memory_space<vmem>>, vector<16xi32>,
    %convert_element_type3A_376 = arith.sitofp %get3A_375 : vector<16xi32> to vector<16xf32>
    %sub3A_377 = arith.subf %add3A_373, %convert_element_type3A_376 : vector<16xf32>
    %slice3A_378 = vector.extract_strided_slice %get3A_241 {offsets = [1], sizes = [1], strides = [1]} : vector<16xf32> to vector<1xf32>
    %squeeze3A_379 = vector.extract %slice3A_378[0] : f32 from vector<1xf32>
    %mul3A_380 = vector.broadcast %squeeze3A_379 : f32 to vector<16xf32>
    %mul3A_381 = arith.mulf %sub3A_377, %mul3A_380 : vector<16xf32>
    %swap3A_382 = arith.constant 1 : i32
    %swap3A_383 = arith.index_cast %swap3A_382 : i32 to index
    %swap3A_384 = arith.constant 32 : index
    %swap3A_385 = tpu.vector_load %arg20[%swap3A_383, %swap3A_384] {strides = array<i32>} : memref<3x64xf32, #tpu.memory_space<vmem>>, vector<16xf32>,
    tpu.vector_store %arg20[%swap3A_383, %swap3A_384], %mul3A_381 {strides = array<i32>} : memref<3x64xf32, #tpu.memory_space<vmem>>, vector<16xf32>,
    %get3A_386 = arith.constant 48 : index
    %get3A_387 = tpu.vector_load %arg8[%get3A_386] {strides = array<i32>} : memref<64xi32, #tpu.memory_space<vmem>>, vector<16xi32>,
    %convert_element_type3A_388 = arith.sitofp %get3A_387 : vector<16xi32> to vector<16xf32>
    %get3A_389 = arith.constant 48 : index
    %get3A_390 = tpu.vector_load %arg18[%get3A_389] {strides = array<i32>} : memref<64xf32, #tpu.memory_space<vmem>>, vector<16xf32>,
    %add3A_391 = arith.addf %convert_element_type3A_388, %get3A_390 : vector<16xf32>
    %get3A_392 = arith.constant 48 : index
    %get3A_393 = tpu.vector_load %arg11[%get3A_392] {strides = array<i32>} : memref<64xi32, #tpu.memory_space<vmem>>, vector<16xi32>,
    %convert_element_type3A_394 = arith.sitofp %get3A_393 : vector<16xi32> to vector<16xf32>
    %sub3A_395 = arith.subf %add3A_391, %convert_element_type3A_394 : vector<16xf32>
    %slice3A_396 = vector.extract_strided_slice %get3A_241 {offsets = [1], sizes = [1], strides = [1]} : vector<16xf32> to vector<1xf32>
    %squeeze3A_397 = vector.extract %slice3A_396[0] : f32 from vector<1xf32>
    %mul3A_398 = vector.broadcast %squeeze3A_397 : f32 to vector<16xf32>
    %mul3A_399 = arith.mulf %sub3A_395, %mul3A_398 : vector<16xf32>
    %swap3A_400 = arith.constant 1 : i32
    %swap3A_401 = arith.index_cast %swap3A_400 : i32 to index
    %swap3A_402 = arith.constant 48 : index
    %swap3A_403 = tpu.vector_load %arg20[%swap3A_401, %swap3A_402] {strides = array<i32>} : memref<3x64xf32, #tpu.memory_space<vmem>>, vector<16xf32>,
    tpu.vector_store %arg20[%swap3A_401, %swap3A_402], %mul3A_399 {strides = array<i32>} : memref<3x64xf32, #tpu.memory_space<vmem>>, vector<16xf32>,
    %run_scoped3A_404 = arith.constant 1 : i32
    %run_scoped3A_405 = arith.constant 1 : i32
    "tpu.region"() ({
      %run_scoped3A_480 = tpu.sem_alloc : memref<!tpu.dma_semaphore, #tpu.memory_space<semaphore_mem>>
      %dma_start3A_481 = arith.constant 0 : i32
      %dma_start3A_482 = tpu.memref_slice %arg20[%run_scoped3A_404, %dma_start3A_481] : memref<3x64xf32, #tpu.memory_space<vmem>> -> memref<1x64xf32, #tpu.memory_space<vmem>>
      %dma_start3A_483 = tpu.memref_squeeze %dma_start3A_482 : memref<1x64xf32, #tpu.memory_space<vmem>> -> memref<64xf32, #tpu.memory_space<vmem>>
      %dma_start3A_484 = tpu.memref_slice %arg6[%run_scoped3A_405, %mul3A_2] : memref<3x2048xf32, #tpu.memory_space<hbm>> -> memref<1x64xf32, #tpu.memory_space<hbm>>
      %dma_start3A_485 = tpu.memref_squeeze %dma_start3A_484 : memref<1x64xf32, #tpu.memory_space<hbm>> -> memref<64xf32, #tpu.memory_space<hbm>>
      %dma_start3A_486 = tpu.memref_slice %arg6[%run_scoped3A_405, %mul3A_2] : memref<3x2048xf32, #tpu.memory_space<hbm>> -> memref<1x64xf32, #tpu.memory_space<hbm>>
      %dma_start3A_487 = tpu.memref_squeeze %dma_start3A_486 : memref<1x64xf32, #tpu.memory_space<hbm>> -> memref<64xf32, #tpu.memory_space<hbm>>
      %dma_start3A_488 = arith.constant 0 : i32
      %dma_start3A_489 = tpu.memref_slice %arg20[%run_scoped3A_404, %dma_start3A_488] : memref<3x64xf32, #tpu.memory_space<vmem>> -> memref<1x64xf32, #tpu.memory_space<vmem>>
      %dma_start3A_490 = tpu.memref_squeeze %dma_start3A_489 : memref<1x64xf32, #tpu.memory_space<vmem>> -> memref<64xf32, #tpu.memory_space<vmem>>
      tpu.enqueue_dma source(%dma_start3A_490 : memref<64xf32, #tpu.memory_space<vmem>>) target(%dma_start3A_487 : memref<64xf32, #tpu.memory_space<hbm>>) target_semaphore(%run_scoped3A_480 : memref<!tpu.dma_semaphore, #tpu.memory_space<semaphore_mem>>)
      %dma_wait3A_491 = arith.constant 0 : i32
      %dma_wait3A_492 = tpu.memref_slice %arg20[%run_scoped3A_404, %dma_wait3A_491] : memref<3x64xf32, #tpu.memory_space<vmem>> -> memref<1x64xf32, #tpu.memory_space<vmem>>
      %dma_wait3A_493 = tpu.memref_squeeze %dma_wait3A_492 : memref<1x64xf32, #tpu.memory_space<vmem>> -> memref<64xf32, #tpu.memory_space<vmem>>
      %dma_wait3A_494 = tpu.memref_slice %arg6[%run_scoped3A_405, %mul3A_2] : memref<3x2048xf32, #tpu.memory_space<hbm>> -> memref<1x64xf32, #tpu.memory_space<hbm>>
      %dma_wait3A_495 = tpu.memref_squeeze %dma_wait3A_494 : memref<1x64xf32, #tpu.memory_space<hbm>> -> memref<64xf32, #tpu.memory_space<hbm>>
      %dma_wait3A_496 = tpu.memref_slice %arg6[%run_scoped3A_405, %mul3A_2] : memref<3x2048xf32, #tpu.memory_space<hbm>> -> memref<1x64xf32, #tpu.memory_space<hbm>>
      %dma_wait3A_497 = tpu.memref_squeeze %dma_wait3A_496 : memref<1x64xf32, #tpu.memory_space<hbm>> -> memref<64xf32, #tpu.memory_space<hbm>>
      %dma_wait3A_498 = arith.constant 0 : i32
      %dma_wait3A_499 = tpu.memref_slice %arg20[%run_scoped3A_404, %dma_wait3A_498] : memref<3x64xf32, #tpu.memory_space<vmem>> -> memref<1x64xf32, #tpu.memory_space<vmem>>
      %dma_wait3A_500 = tpu.memref_squeeze %dma_wait3A_499 : memref<1x64xf32, #tpu.memory_space<vmem>> -> memref<64xf32, #tpu.memory_space<vmem>>
      tpu.wait_dma2 semaphore(%run_scoped3A_480 : memref<!tpu.dma_semaphore, #tpu.memory_space<semaphore_mem>>) src(%dma_wait3A_500 : memref<64xf32, #tpu.memory_space<vmem>>) dst(%dma_wait3A_497 : memref<64xf32, #tpu.memory_space<hbm>>)
      tpu.yield
    }) : () -> ()
    %get3A_406 = arith.constant 0 : index
    %get3A_407 = tpu.vector_load %arg9[%get3A_406] {strides = array<i32>} : memref<64xi32, #tpu.memory_space<vmem>>, vector<16xi32>,
    %convert_element_type3A_408 = arith.sitofp %get3A_407 : vector<16xi32> to vector<16xf32>
    %get3A_409 = arith.constant 0 : index
    %get3A_410 = tpu.vector_load %arg19[%get3A_409] {strides = array<i32>} : memref<64xf32, #tpu.memory_space<vmem>>, vector<16xf32>,
    %add3A_411 = arith.addf %convert_element_type3A_408, %get3A_410 : vector<16xf32>
    %get3A_412 = arith.constant 0 : index
    %get3A_413 = tpu.vector_load %arg12[%get3A_412] {strides = array<i32>} : memref<64xi32, #tpu.memory_space<vmem>>, vector<16xi32>,
    %convert_element_type3A_414 = arith.sitofp %get3A_413 : vector<16xi32> to vector<16xf32>
    %sub3A_415 = arith.subf %add3A_411, %convert_element_type3A_414 : vector<16xf32>
    %slice3A_416 = vector.extract_strided_slice %get3A_241 {offsets = [2], sizes = [1], strides = [1]} : vector<16xf32> to vector<1xf32>
    %squeeze3A_417 = vector.extract %slice3A_416[0] : f32 from vector<1xf32>
    %mul3A_418 = vector.broadcast %squeeze3A_417 : f32 to vector<16xf32>
    %mul3A_419 = arith.mulf %sub3A_415, %mul3A_418 : vector<16xf32>
    %swap3A_420 = arith.constant 2 : i32
    %swap3A_421 = arith.index_cast %swap3A_420 : i32 to index
    %swap3A_422 = arith.constant 0 : index
    %swap3A_423 = tpu.vector_load %arg20[%swap3A_421, %swap3A_422] {strides = array<i32>} : memref<3x64xf32, #tpu.memory_space<vmem>>, vector<16xf32>,
    tpu.vector_store %arg20[%swap3A_421, %swap3A_422], %mul3A_419 {strides = array<i32>} : memref<3x64xf32, #tpu.memory_space<vmem>>, vector<16xf32>,
    %get3A_424 = arith.constant 16 : index
    %get3A_425 = tpu.vector_load %arg9[%get3A_424] {strides = array<i32>} : memref<64xi32, #tpu.memory_space<vmem>>, vector<16xi32>,
    %convert_element_type3A_426 = arith.sitofp %get3A_425 : vector<16xi32> to vector<16xf32>
    %get3A_427 = arith.constant 16 : index
    %get3A_428 = tpu.vector_load %arg19[%get3A_427] {strides = array<i32>} : memref<64xf32, #tpu.memory_space<vmem>>, vector<16xf32>,
    %add3A_429 = arith.addf %convert_element_type3A_426, %get3A_428 : vector<16xf32>
    %get3A_430 = arith.constant 16 : index
    %get3A_431 = tpu.vector_load %arg12[%get3A_430] {strides = array<i32>} : memref<64xi32, #tpu.memory_space<vmem>>, vector<16xi32>,
    %convert_element_type3A_432 = arith.sitofp %get3A_431 : vector<16xi32> to vector<16xf32>
    %sub3A_433 = arith.subf %add3A_429, %convert_element_type3A_432 : vector<16xf32>
    %slice3A_434 = vector.extract_strided_slice %get3A_241 {offsets = [2], sizes = [1], strides = [1]} : vector<16xf32> to vector<1xf32>
    %squeeze3A_435 = vector.extract %slice3A_434[0] : f32 from vector<1xf32>
    %mul3A_436 = vector.broadcast %squeeze3A_435 : f32 to vector<16xf32>
    %mul3A_437 = arith.mulf %sub3A_433, %mul3A_436 : vector<16xf32>
    %swap3A_438 = arith.constant 2 : i32
    %swap3A_439 = arith.index_cast %swap3A_438 : i32 to index
    %swap3A_440 = arith.constant 16 : index
    %swap3A_441 = tpu.vector_load %arg20[%swap3A_439, %swap3A_440] {strides = array<i32>} : memref<3x64xf32, #tpu.memory_space<vmem>>, vector<16xf32>,
    tpu.vector_store %arg20[%swap3A_439, %swap3A_440], %mul3A_437 {strides = array<i32>} : memref<3x64xf32, #tpu.memory_space<vmem>>, vector<16xf32>,
    %get3A_442 = arith.constant 32 : index
    %get3A_443 = tpu.vector_load %arg9[%get3A_442] {strides = array<i32>} : memref<64xi32, #tpu.memory_space<vmem>>, vector<16xi32>,
    %convert_element_type3A_444 = arith.sitofp %get3A_443 : vector<16xi32> to vector<16xf32>
    %get3A_445 = arith.constant 32 : index
    %get3A_446 = tpu.vector_load %arg19[%get3A_445] {strides = array<i32>} : memref<64xf32, #tpu.memory_space<vmem>>, vector<16xf32>,
    %add3A_447 = arith.addf %convert_element_type3A_444, %get3A_446 : vector<16xf32>
    %get3A_448 = arith.constant 32 : index
    %get3A_449 = tpu.vector_load %arg12[%get3A_448] {strides = array<i32>} : memref<64xi32, #tpu.memory_space<vmem>>, vector<16xi32>,
    %convert_element_type3A_450 = arith.sitofp %get3A_449 : vector<16xi32> to vector<16xf32>
    %sub3A_451 = arith.subf %add3A_447, %convert_element_type3A_450 : vector<16xf32>
    %slice3A_452 = vector.extract_strided_slice %get3A_241 {offsets = [2], sizes = [1], strides = [1]} : vector<16xf32> to vector<1xf32>
    %squeeze3A_453 = vector.extract %slice3A_452[0] : f32 from vector<1xf32>
    %mul3A_454 = vector.broadcast %squeeze3A_453 : f32 to vector<16xf32>
    %mul3A_455 = arith.mulf %sub3A_451, %mul3A_454 : vector<16xf32>
    %swap3A_456 = arith.constant 2 : i32
    %swap3A_457 = arith.index_cast %swap3A_456 : i32 to index
    %swap3A_458 = arith.constant 32 : index
    %swap3A_459 = tpu.vector_load %arg20[%swap3A_457, %swap3A_458] {strides = array<i32>} : memref<3x64xf32, #tpu.memory_space<vmem>>, vector<16xf32>,
    tpu.vector_store %arg20[%swap3A_457, %swap3A_458], %mul3A_455 {strides = array<i32>} : memref<3x64xf32, #tpu.memory_space<vmem>>, vector<16xf32>,
    %get3A_460 = arith.constant 48 : index
    %get3A_461 = tpu.vector_load %arg9[%get3A_460] {strides = array<i32>} : memref<64xi32, #tpu.memory_space<vmem>>, vector<16xi32>,
    %convert_element_type3A_462 = arith.sitofp %get3A_461 : vector<16xi32> to vector<16xf32>
    %get3A_463 = arith.constant 48 : index
    %get3A_464 = tpu.vector_load %arg19[%get3A_463] {strides = array<i32>} : memref<64xf32, #tpu.memory_space<vmem>>, vector<16xf32>,
    %add3A_465 = arith.addf %convert_element_type3A_462, %get3A_464 : vector<16xf32>
    %get3A_466 = arith.constant 48 : index
    %get3A_467 = tpu.vector_load %arg12[%get3A_466] {strides = array<i32>} : memref<64xi32, #tpu.memory_space<vmem>>, vector<16xi32>,
    %convert_element_type3A_468 = arith.sitofp %get3A_467 : vector<16xi32> to vector<16xf32>
    %sub3A_469 = arith.subf %add3A_465, %convert_element_type3A_468 : vector<16xf32>
    %slice3A_470 = vector.extract_strided_slice %get3A_241 {offsets = [2], sizes = [1], strides = [1]} : vector<16xf32> to vector<1xf32>
    %squeeze3A_471 = vector.extract %slice3A_470[0] : f32 from vector<1xf32>
    %mul3A_472 = vector.broadcast %squeeze3A_471 : f32 to vector<16xf32>
    %mul3A_473 = arith.mulf %sub3A_469, %mul3A_472 : vector<16xf32>
    %swap3A_474 = arith.constant 2 : i32
    %swap3A_475 = arith.index_cast %swap3A_474 : i32 to index
    %swap3A_476 = arith.constant 48 : index
    %swap3A_477 = tpu.vector_load %arg20[%swap3A_475, %swap3A_476] {strides = array<i32>} : memref<3x64xf32, #tpu.memory_space<vmem>>, vector<16xf32>,
    tpu.vector_store %arg20[%swap3A_475, %swap3A_476], %mul3A_473 {strides = array<i32>} : memref<3x64xf32, #tpu.memory_space<vmem>>, vector<16xf32>,
    %run_scoped3A_478 = arith.constant 2 : i32
    %run_scoped3A_479 = arith.constant 2 : i32
    "tpu.region"() ({
      %run_scoped3A_480 = tpu.sem_alloc : memref<!tpu.dma_semaphore, #tpu.memory_space<semaphore_mem>>
      %dma_start3A_481 = arith.constant 0 : i32
      %dma_start3A_482 = tpu.memref_slice %arg20[%run_scoped3A_478, %dma_start3A_481] : memref<3x64xf32, #tpu.memory_space<vmem>> -> memref<1x64xf32, #tpu.memory_space<vmem>>
      %dma_start3A_483 = tpu.memref_squeeze %dma_start3A_482 : memref<1x64xf32, #tpu.memory_space<vmem>> -> memref<64xf32, #tpu.memory_space<vmem>>
      %dma_start3A_484 = tpu.memref_slice %arg6[%run_scoped3A_479, %mul3A_2] : memref<3x2048xf32, #tpu.memory_space<hbm>> -> memref<1x64xf32, #tpu.memory_space<hbm>>
      %dma_start3A_485 = tpu.memref_squeeze %dma_start3A_484 : memref<1x64xf32, #tpu.memory_space<hbm>> -> memref<64xf32, #tpu.memory_space<hbm>>
      %dma_start3A_486 = tpu.memref_slice %arg6[%run_scoped3A_479, %mul3A_2] : memref<3x2048xf32, #tpu.memory_space<hbm>> -> memref<1x64xf32, #tpu.memory_space<hbm>>
      %dma_start3A_487 = tpu.memref_squeeze %dma_start3A_486 : memref<1x64xf32, #tpu.memory_space<hbm>> -> memref<64xf32, #tpu.memory_space<hbm>>
      %dma_start3A_488 = arith.constant 0 : i32
      %dma_start3A_489 = tpu.memref_slice %arg20[%run_scoped3A_478, %dma_start3A_488] : memref<3x64xf32, #tpu.memory_space<vmem>> -> memref<1x64xf32, #tpu.memory_space<vmem>>
      %dma_start3A_490 = tpu.memref_squeeze %dma_start3A_489 : memref<1x64xf32, #tpu.memory_space<vmem>> -> memref<64xf32, #tpu.memory_space<vmem>>
      tpu.enqueue_dma source(%dma_start3A_490 : memref<64xf32, #tpu.memory_space<vmem>>) target(%dma_start3A_487 : memref<64xf32, #tpu.memory_space<hbm>>) target_semaphore(%run_scoped3A_480 : memref<!tpu.dma_semaphore, #tpu.memory_space<semaphore_mem>>)
      %dma_wait3A_491 = arith.constant 0 : i32
      %dma_wait3A_492 = tpu.memref_slice %arg20[%run_scoped3A_478, %dma_wait3A_491] : memref<3x64xf32, #tpu.memory_space<vmem>> -> memref<1x64xf32, #tpu.memory_space<vmem>>
      %dma_wait3A_493 = tpu.memref_squeeze %dma_wait3A_492 : memref<1x64xf32, #tpu.memory_space<vmem>> -> memref<64xf32, #tpu.memory_space<vmem>>
      %dma_wait3A_494 = tpu.memref_slice %arg6[%run_scoped3A_479, %mul3A_2] : memref<3x2048xf32, #tpu.memory_space<hbm>> -> memref<1x64xf32, #tpu.memory_space<hbm>>
      %dma_wait3A_495 = tpu.memref_squeeze %dma_wait3A_494 : memref<1x64xf32, #tpu.memory_space<hbm>> -> memref<64xf32, #tpu.memory_space<hbm>>
      %dma_wait3A_496 = tpu.memref_slice %arg6[%run_scoped3A_479, %mul3A_2] : memref<3x2048xf32, #tpu.memory_space<hbm>> -> memref<1x64xf32, #tpu.memory_space<hbm>>
      %dma_wait3A_497 = tpu.memref_squeeze %dma_wait3A_496 : memref<1x64xf32, #tpu.memory_space<hbm>> -> memref<64xf32, #tpu.memory_space<hbm>>
      %dma_wait3A_498 = arith.constant 0 : i32
      %dma_wait3A_499 = tpu.memref_slice %arg20[%run_scoped3A_478, %dma_wait3A_498] : memref<3x64xf32, #tpu.memory_space<vmem>> -> memref<1x64xf32, #tpu.memory_space<vmem>>
      %dma_wait3A_500 = tpu.memref_squeeze %dma_wait3A_499 : memref<1x64xf32, #tpu.memory_space<vmem>> -> memref<64xf32, #tpu.memory_space<vmem>>
      tpu.wait_dma2 semaphore(%run_scoped3A_480 : memref<!tpu.dma_semaphore, #tpu.memory_space<semaphore_mem>>) src(%dma_wait3A_500 : memref<64xf32, #tpu.memory_space<vmem>>) dst(%dma_wait3A_497 : memref<64xf32, #tpu.memory_space<hbm>>)
      tpu.yield
    }) : () -> ()
    return
  }
}

</mosaic_0001>

<sc_bundles>
// kernel: kernel.3.cloned.1.call-start
scs
__scs_entry_jumppad:
0x0: {  	(pc) =	sbr.rel $0x88, $3  }
0x1: {  	(tag) =	ssettag $0x0;
	lr =	simm.s32 $0x1  }
0x2: {  	[smem:$0x3F9D] =	sst lr;
	_ =	strace $0xD0000000  }
0x3: {  	_ = 	snop  }
0x4: {  	_ = 	snop  }
0x5: {  	_ = 	snop  }
0x6: {  	_ = 	snop  }
0x7: {  	_ = 	snop  }
__scs_overlays_trampoline_lowered:
0x8: {  	[smem:$0x3FAC] =	sst s0  }
0x9: {  	[smem:$0x3FAD] =	sst s1  }
0xa: {  	[smem:$0x3FAE] =	sst s2  }
0xb: {  	[smem:$0x3FAF] =	sst s3  }
0xc: {  	[smem:$0x3FB0] =	sst s4  }
0xd: {  	[smem:$0x3FB1] =	sst s5  }
0xe: {  	[smem:$0x3FB2] =	sst s6  }
0xf: {  	[smem:$0x3FB3] =	sst s7  }
0x10: {  	[smem:$0x3FB4] =	sst s8  }
0x11: {  	[smem:$0x3FB5] =	sst s9;
	s0 =	simm.s32 @!p0 $0x0  }
0x12: {  	s1 =	sld [smem:$0x3F9B];
	s0 =	simm.s32 @p0 $0x1  }
0x13: {  	[smem:$0x3FB6] =	sst s0;
	s0 =	simm.s32 @!p1 $0x0  }
0x14: {  	s2 =	sld [smem:$0x3F9A];
	s0 =	simm.s32 @p1 $0x1  }
0x15: {  	[smem:$0x3FB7] =	sst s0;
	s0 =	simm.s32 @!p2 $0x0  }
0x16: {  	s3 =	sld [smem:$0x3FDB];
	s0 =	simm.s32 @p2 $0x1  }
0x17: {  	s4 =	simm.s32 $0x1BF5;
	[smem:$0x3FB9] =	sst s0  }
0x18: {  	s0 =	sld [smem:$0x3F9C];
	_ =	swait.ge [sflag:s4], $0x0  }
0x19: {  	s7 =	sld [smem:$0x3F9D]  }
0x1a: {  	s8 =	sadd.s32 $0xFFFFE003, lr  }
0x1b: {  	s9 =	sadd.s32 $0xFFFFFEF7, lr;
	s5 =	simm.s32 $0xFFFFFFFF;
	p2 =	slt.u32 s8, $0xFFFFF086  }
0x1c: {  	p1 =	slt.u32 s9, $0xF7A;
	s5 =	simm.s32 @!p2 $0x0  }
0x1d: {  	s5 =	simm.s32 @p1 $0x1;
	p0 =	seq.s32 s7, s2  }
0x1e: {  	s7 =	smul.u32 @!p0 $0xF7A, s2;
	p2 =	seq.s32 @!p0 s5, $0x0  }
0x1f: {  	s9 =	smul.u32 $0xF7A, s1;
	s8 =	simm.s32 @!p0 $0x1BF5;
	p2 =	por !p2, p0  }
0x20: {  	[sflag:s8] =	ssyncset.s32 @!p0 $0xFFFFF086;
	s6 =	sadd.s32 @!p0 s3, s7;
	s7 =	simm.s32 @!p0 $0x108  }
0x21: {  	s3 =	sadd.s32 s3, s9;
	s6 =	sadd.s32 @!p0 $0x88, s6;
	s7 =	simm.s32 @p2 $0x1082  }
0x22: {  	[simem:s7], [sflag:s8] =	dma.local @!p0 [hbm:s6], $0xF7A  }
0x23: {  	s9 =	sor.u32 $0xD0000000, s2;
	s6 =	simm.s32 $0x108;
	_ =	swait.ge @!p0 [sflag:s8], $0x0  }
0x24: {  	s3 =	sadd.s32 $0x88, s3;
	s6 =	simm.s32 @!p1 $0x1082;
	[sflag:s4] =	ssyncset.s32 $0xFFFFF086  }
0x25: {  	[simem:s6], [sflag:s4] =	dma.local [hbm:s3], $0xF7A  }
0x26: {  	[smem:$0x3F9D] =	sst s1;
	(tag) =	ssettag s2;
	_ =	strace s9  }
0x27: {  	s1 =	sld [smem:$0x3FAD]  }
0x28: {  	s2 =	sld [smem:$0x3FAE]  }
0x29: {  	s4 =	sld [smem:$0x3FB0]  }
0x2a: {  	p0 =	seq.s32 s5, $0x0;
	s5 =	sld [smem:$0x3FB1]  }
0x2b: {  	s6 =	sld [smem:$0x3FB2]  }
0x2c: {  	s7 =	sld [smem:$0x3FB3]  }
0x2d: {  	s3 =	simm.s32 $0x108;
	s8 =	sld [smem:$0x3FB4]  }
0x2e: {  	s3 =	simm.s32 @!p0 $0x1082;
	s9 =	sld [smem:$0x3FB5]  }
0x2f: {  	lr =	sadd.s32 s0, s3;
	s0 =	sld [smem:$0x3FAC]  }
0x30: {  	s3 =	sld [smem:$0x3FAF]  }
0x31: {  	[smem:$0x3FB8] =	sst s10  }
0x32: {  	s10 =	sld [smem:$0x3FB6];
	_ =	sdelay $0x3  }
0x33: {  	p0 =	seq.s32 s10, $0x1;
	s10 =	sld [smem:$0x3FB8];
	_ =	sdelay $0x3  }
0x34: {  	[smem:$0x3FB8] =	sst s10  }
0x35: {  	s10 =	sld [smem:$0x3FB7];
	_ =	sdelay $0x3  }
0x36: {  	p1 =	seq.s32 s10, $0x1;
	s10 =	sld [smem:$0x3FB8];
	_ =	sdelay $0x3  }
0x37: {  	[smem:$0x3FB8] =	sst s10  }
0x38: {  	s10 =	sld [smem:$0x3FB9]  }
0x39: {  	_ = 	snop;
	(pc) =	sbr.ind lr, $3  }
0x3a: {  	_ = 	snop  }
0x3b: {  	_ = 	snop  }
0x3c: {  	p2 =	seq.s32 s10, $0x1;
	s10 =	sld [smem:$0x3FB8]  }
0x3d: {  	_ =	shalt  }
0x3e: {  	_ =	shalt  }
0x3f: {  	_ =	shalt  }
0x40: {  	_ =	shalt  }
0x41: {  	_ =	shalt  }
0x42: {  	_ =	shalt  }
0x43: {  	_ =	shalt  }
0x44: {  	_ =	shalt  }
0x45: {  	_ =	shalt  }
0x46: {  	_ =	shalt  }
0x47: {  	_ =	shalt  }
0x48: {  	_ =	shalt  }
0x49: {  	_ =	shalt  }
0x4a: {  	_ =	shalt  }
0x4b: {  	_ =	shalt  }
0x4c: {  	_ =	shalt  }
0x4d: {  	_ =	shalt  }
0x4e: {  	_ =	shalt  }
0x4f: {  	_ =	shalt  }
0x50: {  	_ =	shalt  }
0x51: {  	_ =	shalt  }
0x52: {  	_ =	shalt  }
0x53: {  	_ =	shalt  }
0x54: {  	_ =	shalt  }
0x55: {  	_ =	shalt  }
0x56: {  	_ =	shalt  }
0x57: {  	_ =	shalt  }
0x58: {  	_ =	shalt  }
0x59: {  	_ =	shalt  }
0x5a: {  	_ =	shalt  }
0x5b: {  	_ =	shalt  }
0x5c: {  	_ =	shalt  }
0x5d: {  	_ =	shalt  }
0x5e: {  	_ =	shalt  }
0x5f: {  	_ =	shalt  }
0x60: {  	_ =	shalt  }
0x61: {  	_ =	shalt  }
0x62: {  	_ =	shalt  }
0x63: {  	_ =	shalt  }
0x64: {  	_ =	shalt  }
0x65: {  	_ =	shalt  }
0x66: {  	_ =	shalt  }
0x67: {  	_ =	shalt  }
0x68: {  	_ =	shalt  }
0x69: {  	_ =	shalt  }
0x6a: {  	_ =	shalt  }
0x6b: {  	_ =	shalt  }
0x6c: {  	_ =	shalt  }
0x6d: {  	_ =	shalt  }
0x6e: {  	_ =	shalt  }
0x6f: {  	_ =	shalt  }
0x70: {  	_ =	shalt  }
0x71: {  	_ =	shalt  }
0x72: {  	_ =	shalt  }
0x73: {  	_ =	shalt  }
0x74: {  	_ =	shalt  }
0x75: {  	_ =	shalt  }
0x76: {  	_ =	shalt  }
0x77: {  	_ =	shalt  }
0x78: {  	_ =	shalt  }
0x79: {  	_ =	shalt  }
0x7a: {  	_ =	shalt  }
0x7b: {  	_ =	shalt  }
0x7c: {  	_ =	shalt  }
0x7d: {  	_ =	shalt  }
0x7e: {  	_ =	shalt  }
0x7f: {  	_ =	shalt  }
0x80: {  	_ =	shalt  }
0x81: {  	_ =	shalt  }
0x82: {  	_ =	shalt  }
0x83: {  	_ =	shalt  }
0x84: {  	_ =	shalt  }
0x85: {  	_ =	shalt  }
0x86: {  	_ =	shalt  }
0x87: {  	_ =	shalt  }
.Lfunc_end0:
.L_simem_size_0:
called_computation_lowered:
.L_overlay_start_0:
0x88: {  	s2 =	sld [smem:$0x3FD9]  }
0x89: {  	s3 =	sld [smem:$0x3FFE];
	_ =	sdelay $0x1  }
0x8a: {  	s1 =	srdreg.scid  }
0x8b: {  	s0 =	sand.u32 $0x1, s1  }
0x8c: {  	s18 =	sshll.u32 s0, $0xA;
	s2 =	sadd.s32 s3, s2  }
0x8d: {  	s2 =	sadd.s32 s2, s18  }
0x8e: {  	[smem:$0x3FC4] =	sst s2  }
0x8f: {  	_ = 	snop  }
0x90: {  	s2 =	sld [smem:$0x3FC9]  }
0x91: {  	s19 =	sld [smem:$0x3FC8]  }
0x92: {  	s4 =	sld [smem:$0x3FC7]  }
0x93: {  	s5 =	sld [smem:$0x3FC6]  }
0x94: {  	s6 =	sld [smem:$0x3FD0];
	(tm) =	ssettm $0x1  }
0x95: {  	s7 =	sld [smem:$0x3FFB];
	_ =	sdelay $0x3  }
0x96: {  	_ =	strace s7  }
0x97: {  	s7 =	sld [smem:$0x3FFC];
	_ =	sdelay $0x3  }
0x98: {  	_ =	strace s7  }
0x99: {  	s7 =	sld [smem:$0x3FFD];
	_ =	sdelay $0x3  }
0x9a: {  	_ =	strace s7  }
0x9b: {  	_ =	strace $0x8FFFFFFF  }
0x9c: {  	s20 =	sld [smem:$0x3FDB];
	_ =	sdelay $0x1  }
0x9d: {  	s8 =	simm.s32 $_scs_section_size  }
0x9e: {  	s9 =	simm.s32 $_size__tile_overlayer_lowered;
	s10 =	simm.s32 $_tile_overlayer_lowered  }
0x9f: {  	s23 =	simm.s32 $0x1BFF;
	s22 =	sshll.u32 s10, $0x1;
	s7 =	sadd.s32 s8, s20  }
0xa0: {  	s11 =	simm.s32 $0x0;
	s21 =	sshll.u32 s9, $0x1;
	s9 =	sadd.s32 s22, s7  }
0xa1: {  	[timem:s11], [sflag:s23] =	dma.local [hbm:s9], s21  }
0xa2: {  	_ =	swait.ge [sflag:s23], s21  }
0xa3: {  	s8 =	ssub.s32 $0x0, s21;
	[sflag:s23] =	ssyncset.done $0x0  }
0xa4: {  	[sflag:s23] =	ssyncadd.s32 s8;
	_ =	sdelay $0x1  }
0xa5: {  	s24 =	simm.s32 $0x1B8B  }
0xa6: {  	_ =	swait.ge [sflag:s24], $0x1  }
0xa7: {  	[sflag:s24] =	ssyncset.done $0x0  }
0xa8: {  	s25 =	simm.s32 $0x1B8E;
	[sflag:s24] =	ssyncadd.s32 $0xFFFFFFFF  }
0xa9: {  	s26 =	simm.s32 $execute0_lowered;
	[smem:$0x3FD2] =	sst s25  }
0xaa: {  	s8 =	sshll.u32 s26, $0x1;
	_ =	strace $0x80000046;
	[dreg:$0x1] =	wrdreg $0xFFFFFFFF  }
0xab: {  	s28 =	simm.s32 $_size_execute0_lowered;
	s7 =	sadd.s32 s7, s8;
	[dreg:$0x0] =	wrdreg $0x0  }
0xac: {  	s8 =	sshll.u32 s28, $0x1;
	[dreg:$0x2] =	wrdreg s7  }
0xad: {  	[dreg:$0x3] =	wrdreg s8  }
0xae: {  	[dreg:$0x4] =	wrdreg $0xC0  }
0xaf: {  	_ =	task [dreg:s11], $0x5FFFF  }
0xb0: {  	[dreg:$0x1] =	wrdreg $0xFFFFFFFF  }
0xb1: {  	[dreg:$0x0] =	wrdreg $0x60  }
0xb2: {  	[dreg:$0x2] =	wrdreg s19  }
0xb3: {  	[dreg:$0x3] =	wrdreg s2  }
0xb4: {  	[dreg:$0x4] =	wrdreg s4  }
0xb5: {  	[dreg:$0x5] =	wrdreg s5  }
0xb6: {  	[dreg:$0x6] =	wrdreg s6  }
0xb7: {  	[dreg:$0x7] =	wrdreg $0x9  }
0xb8: {  	_ =	task.clear_ibuf [dreg:s11], $0x8FFFF;
	_ =	strace $0x90000046  }
0xb9: {  	s29 =	simm.s32 $0x9;
	_ =	strace $0x80000048  }
0xba: {  	_ =	swait.ge [sflag:s29], $0x1  }
0xbb: {  	[sflag:s29] =	ssyncadd.s32 $0xFFFFFFFF  }
0xbc: {  	_ =	strace $0x90000048  }
0xbd: {  	_ =	sfence  }
0xbe: {  	s30 =	sld [smem:$0x0];
	_ =	sdelay $0x2  }
0xbf: {  	s31 =	sshll.u32 s1, $0xD;
	s1 =	sshrl.u32 s1, $0x2  }
0xc0: {  	s3 =	sand.u32 $0x4000, s31;
	s1 =	sadd.s32 s1, s30  }
0xc1: {  	s0 =	sor.u32 s3, s0;
	s1 =	sshll.u32 s1, $0x11  }
0xc2: {  	s0 =	sor.u32 s1, s0  }
0xc3: {  	s0 =	sadd.s32 $0x8F2B, s0  }
0xc4: {  	[sflag:s0] =	ssyncadd.remote.s32 $0x1  }
0xc5: {  	_ =	sfence.sel $0xFFFF  }
0xc6: {  	[dreg:$0x0] =	wrdreg $0xFFFFFFFF;
	(pc) =	sbr.abs _section_cstart, $3  }
0xc7: {  	[dreg:$0x1] =	wrdreg $0xFFFFFFFF  }
0xc8: {  	_ =	task.clear_ibuf [dreg:s11], $0x2FFFF;
	_ =	strace $0x9FFFFFFF  }
0xc9: {  	(tm) =	ssettm $0x7FFFFFFF  }
tec
execute0_lowered:
.L_overlay_start_1:
0x0: {  	(tag) =	ssettag $0x1  }
0x1: {  	s4 =	rddreg [dreg:$0x0]  }
0x2: {  	s10 =	rddreg [dreg:$0x1]  }
0x3: {  	s3 =	rddreg [dreg:$0x2];
	s2 =	srdreg.scid  }
0x4: {  	s0 =	rddreg [dreg:$0x3];
	s1 =	stileid.u32;
	s22 =	sand.u32 $0x1, s2  }
0x5: {  	[dreg:$0x6] =	wrdreg s0;
	s6 =	sshll.u32 s1, $0x6;
	s5 =	sshll.u32 s22, $0x3  }
0x6: {  	s0 =	rddreg [dreg:$0x4];
	s2 =	simm.s32 $0x0;
	s14 =	sor.u32 s5, s6  }
0x7: {  	[smem:$0x7FF] =	sst s2;
	s5 =	sadd.s32 s4, s14;
	s24 =	sor.u32 $0x10, s14  }
0x8: {  	_ =	strace $0x80000047;
	[dreg:$0x7] =	wrdreg s5;
	s21 =	sadd.s32 s4, s24  }
0x9: {  	s29 =	sor.u32 $0x20, s14;
	[dreg:$0x8] =	wrdreg s21  }
0xa: {  	s4 =	sadd.s32 s4, s29;
	s23 =	rddreg [dreg:$0x7]  }
0xb: {  	[dreg:$0x9] =	wrdreg s4  }
0xc: {  	[tilespmem:s2], [sflag:$0x2] =	stream.linear.gather [hbm4b:s23+s2], $0x40, $0x38;
	[tilespmem:$0x880] =	vst v63  }
0xd: {  	s26 =	simm.s32 $0x80;
	s25 =	rddreg [dreg:$0x8]  }
0xe: {  	[tilespmem:s26], [sflag:$0x2] =	stream.linear.gather [hbm4b:s25+s2], $0x40, $0x38;
	[tilespmem:$0x880] =	vst v63  }
0xf: {  	s4 =	simm.s32 $0x100;
	s7 =	rddreg [dreg:$0x9]  }
0x10: {  	[tilespmem:s4], [sflag:$0x2] =	stream.linear.gather [hbm4b:s7+s2], $0x40, $0x38;
	[tilespmem:$0x880] =	vst v63  }
0x11: {  	s6 =	sadd.s32 s10, s14;
	s7 =	simm.s32 $0x180  }
0x12: {  	[tilespmem:s7], [sflag:$0x3] =	stream.linear.gather [hbm4b:s6+s2], $0x40, $0x38;
	[tilespmem:$0x880] =	vst v63  }
0x13: {  	s9 =	simm.s32 $0x200;
	s8 =	sadd.s32 s10, s24  }
0x14: {  	[tilespmem:s9], [sflag:$0x3] =	stream.linear.gather [hbm4b:s8+s2], $0x40, $0x38;
	[tilespmem:$0x880] =	vst v63  }
0x15: {  	s11 =	simm.s32 $0x280;
	s10 =	sadd.s32 s10, s29  }
0x16: {  	[tilespmem:s11], [sflag:$0x3] =	stream.linear.gather [hbm4b:s10+s2], $0x40, $0x38;
	[tilespmem:$0x880] =	vst v63  }
0x17: {  	s12 =	simm.s32 $0x300;
	s13 =	simm.s32 $0x2;
	s15 =	rddreg [dreg:$0x6]  }
0x18: {  	[tilespmem:s12], [sflag:$0x4] =	stream.linear.gather [hbm4b:s15+s2], $0x3, $0x38;
	[tilespmem:$0x880] =	vst v63  }
0x19: {  	_ =	swait.ge [sflag:s13], $0x40  }
0x1a: {  	[sflag:s13] =	ssyncset.done $0x0  }
0x1b: {  	[sflag:s13] =	ssyncadd.s32 $0xFFFFFFC0  }
0x1c: {  	_ =	swait.ge [sflag:s13], $0x40  }
0x1d: {  	[sflag:s13] =	ssyncset.done $0x0  }
0x1e: {  	[sflag:s13] =	ssyncadd.s32 $0xFFFFFFC0  }
0x1f: {  	_ =	swait.ge [sflag:s13], $0x40  }
0x20: {  	[sflag:s13] =	ssyncset.done $0x0  }
0x21: {  	[sflag:s13] =	ssyncadd.s32 $0xFFFFFFC0  }
0x22: {  	v0 =	vld [tilespmem:$0x10]  }
0x23: {  	v2 =	vld [tilespmem:$0x110]  }
0x24: {  	v3 =	vld [tilespmem:$0x120]  }
0x25: {  	v4 =	vld [tilespmem:$0x130]  }
0x26: {  	v5 =	vld [tilespmem:$0xB0]  }
0x27: {  	v6 =	vld [tilespmem:$0xA0]  }
0x28: {  	v7 =	vld [tilespmem:$0x80]  }
0x29: {  	v8 =	vld [tilespmem:$0x90]  }
0x2a: {  	v10 =	vld [tilespmem:$0x100]  }
0x2b: {  	v13 =	vld [tilespmem:$0x0]  }
0x2c: {  	v19 =	vld [tilespmem:$0x20];
	v9 =	vshrl.u32 v2, $0x7  }
0x2d: {  	v11 =	vand.u32 $0x7F, v3;
	v12 =	vshrl.u32 v4, $0x7;
	v3 =	vshrl.u32 v3, $0x7  }
0x2e: {  	v14 =	vshrl.u32 v5, $0x2;
	v15 =	vshrl.u32 v6, $0x2;
	v16 =	vshrl.u32 v7, $0x2  }
0x2f: {  	v7 =	vshll.u32 v7, $0x7;
	v17 =	vshrl.u32 v8, $0x2;
	v8 =	vshll.u32 v8, $0x7  }
0x30: {  	v6 =	vshll.u32 v6, $0x7;
	v18 =	vshrl.u32 v10, $0x7;
	v0 =	vshll.u32 v0, $0x10  }
0x31: {  	v13 =	vshll.u32 v13, $0x10;
	v10 =	vand.u32 $0x7F, v10;
	v51 =	vshll.u32 v19, $0x10  }
0x32: {  	v15 =	vand.u32 $0x3FFFFE, v15;
	v16 =	vand.u32 $0x3FFFFE, v16;
	v17 =	vand.u32 $0x3FFFFE, v17  }
0x33: {  	v7 =	vand.u32 $0x380, v7;
	v8 =	vand.u32 $0x380, v8;
	v16 =	vadd.s32 v18, v16  }
0x34: {  	v6 =	vand.u32 $0x380, v6;
	v3 =	vadd.s32 v3, v15;
	v16 =	vshll.u32 v16, $0xA  }
0x35: {  	v9 =	vadd.s32 v9, v17;
	v3 =	vshll.u32 v3, $0xA;
	v13 =	vadd.s32 v13, v16  }
0x36: {  	v1 =	vld [tilespmem:$0x30];
	v9 =	vshll.u32 v9, $0xA;
	v3 =	vadd.s32 v51, v3;
	v7 =	vor.u32 v7, v13  }
0x37: {  	v0 =	vadd.s32 v0, v9;
	v3 =	vor.u32 v6, v3;
	v7 =	vor.u32 v10, v7  }
0x38: {  	v2 =	vand.u32 $0x7F, v2;
	v0 =	vor.u32 v8, v0;
	v3 =	vor.u32 v11, v3;
	[tilespmem:$0x380] =	vst v7  }
0x39: {  	v5 =	vshll.u32 v5, $0x7;
	v52 =	vand.u32 $0x3FFFFE, v14;
	v0 =	vor.u32 v2, v0;
	[tilespmem:$0x3A0] =	vst v3  }
0x3a: {  	v10 =	vadd.s32 $0x1000000, v7;
	v50 =	vadd.s32 $0x2000000, v7;
	v7 =	vadd.s32 v12, v52;
	[tilespmem:$0x390] =	vst v0  }
0x3b: {  	v1 =	vshll.u32 v1, $0x10;
	v5 =	vand.u32 $0x380, v5;
	[tilespmem:$0x400] =	vst v10;
	v53 =	vshll.u32 v7, $0xA  }
0x3c: {  	v2 =	vand.u32 $0x7F, v4;
	v4 =	vadd.s32 $0x2000000, v3;
	[tilespmem:$0x480] =	vst v50;
	v1 =	vadd.s32 v1, v53  }
0x3d: {  	v3 =	vadd.s32 $0x1000000, v3;
	[tilespmem:$0x4A0] =	vst v4;
	v1 =	vor.u32 v5, v1  }
0x3e: {  	[tilespmem:$0x420] =	vst v3;
	v1 =	vor.u32 v2, v1  }
0x3f: {  	[tilespmem:$0x3B0] =	vst v1;
	v2 =	vadd.s32 $0x2000000, v1  }
0x40: {  	v1 =	vadd.s32 $0x1000000, v1;
	[tilespmem:$0x4B0] =	vst v2  }
0x41: {  	v2 =	vadd.s32 $0x1000000, v0;
	[tilespmem:$0x430] =	vst v1  }
0x42: {  	v0 =	vadd.s32 $0x2000000, v0;
	[tilespmem:$0x410] =	vst v2  }
0x43: {  	s16 =	simm.s32 $0x380;
	s17 =	simm.s32 $0x500;
	s15 =	simm.s32 $0x40;
	[tilespmem:$0x490] =	vst v0  }
0x44: {  	[tilespmem:s17], [sflag:$0x1] =	stream.indirect.gather [hbm4b:s3+s15], $0x1, s16, s15, $0xb8;
	[tilespmem:$0x880] =	vst v63  }
0x45: {  	s18 =	simm.s32 $0x400;
	s19 =	simm.s32 $0x580  }
0x46: {  	[tilespmem:s19], [sflag:$0x1] =	stream.indirect.gather [hbm4b:s3+s15], $0x1, s18, s15, $0xb8;
	[tilespmem:$0x880] =	vst v63  }
0x47: {  	s20 =	simm.s32 $0x480;
	s21 =	simm.s32 $0x600;
	s23 =	simm.s32 $0x4  }
0x48: {  	[tilespmem:s21], [sflag:$0x1] =	stream.indirect.gather [hbm4b:s3+s15], $0x1, s20, s15, $0xb8;
	[tilespmem:$0x880] =	vst v63  }
0x49: {  	_ =	swait.ge [sflag:s23], $0x3  }
0x4a: {  	[sflag:s23] =	ssyncset.done $0x0  }
0x4b: {  	s25 =	simm.s32 $0x3;
	[sflag:s23] =	ssyncadd.s32 $0xFFFFFFFD  }
0x4c: {  	v0 =	vld [tilespmem:$0x300];
	_ =	swait.ge [sflag:s25], $0x40  }
0x4d: {  	[sflag:s25] =	ssyncset.done $0x0  }
0x4e: {  	[sflag:s25] =	ssyncadd.s32 $0xFFFFFFC0  }
0x4f: {  	_ =	swait.ge [sflag:s25], $0x40  }
0x50: {  	[sflag:s25] =	ssyncset.done $0x0  }
0x51: {  	[sflag:s25] =	ssyncadd.s32 $0xFFFFFFC0  }
0x52: {  	_ =	swait.ge [sflag:s25], $0x40  }
0x53: {  	[sflag:s25] =	ssyncset.done $0x0  }
0x54: {  	s26 =	simm.s32 $0x1;
	[sflag:s25] =	ssyncadd.s32 $0xFFFFFFC0  }
0x55: {  	_ =	swait.ge [sflag:s26], $0x40  }
0x56: {  	[sflag:s26] =	ssyncset.done $0x0  }
0x57: {  	[sflag:s26] =	ssyncadd.s32 $0xFFFFFFC0  }
0x58: {  	_ =	swait.ge [sflag:s26], $0x40  }
0x59: {  	[sflag:s26] =	ssyncset.done $0x0  }
0x5a: {  	[sflag:s26] =	ssyncadd.s32 $0xFFFFFFC0  }
0x5b: {  	_ =	swait.ge [sflag:s26], $0x40  }
0x5c: {  	[sflag:s26] =	ssyncset.done $0x0  }
0x5d: {  	[sflag:s26] =	ssyncadd.s32 $0xFFFFFFC0  }
0x5e: {  	v1 =	vld [tilespmem:$0x190]  }
0x5f: {  	v2 =	vld [tilespmem:$0x180]  }
0x60: {  	v3 =	vld [tilespmem:$0x500]  }
0x61: {  	v4 =	vld [tilespmem:$0x510]  }
0x62: {  	v5 =	vld [tilespmem:$0x10]  }
0x63: {  	v54 =	vld [tilespmem:$0x0]  }
0x64: {  	v55 =	vld [tilespmem:$0x520]  }
0x65: {  	v56 =	vld [tilespmem:$0x20]  }
0x66: {  	v57 =	vld [tilespmem:$0x1A0]  }
0x67: {  	v58 =	vld [tilespmem:$0x30]  }
0x68: {  	v59 =	vld [tilespmem:$0x1B0]  }
0x69: {  	v60 =	vld [tilespmem:$0x530];
	v5 =	vcvt.s32.f32 v5  }
0x6a: {  	v61 =	vbroadcast v0, $0x0;
	v6 =	vcvt.s32.f32 v54  }
0x6b: {  	v1 =	vcvt.s32.f32 v1;
	v4 =	vadd.f32 v5, v4;
	v5 =	vcvt.s32.f32 v56  }
0x6c: {  	v2 =	vcvt.s32.f32 v2;
	v62 =	vcvt.s32.f32 v58;
	v3 =	vadd.f32 v6, v3  }
0x6d: {  	v1 =	vsub.f32 v4, v1;
	v4 =	vadd.f32 v5, v55;
	v5 =	vcvt.s32.f32 v57  }
0x6e: {  	v63 =	vcvt.s32.f32 v59;
	v2 =	vsub.f32 v3, v2;
	v3 =	vadd.f32 v62, v60  }
0x6f: {  	v1 =	vmul.f32 v1, v61;
	v4 =	vsub.f32 v4, v5  }
0x70: {  	v2 =	vmul.f32 v2, v61;
	v3 =	vsub.f32 v3, v63  }
0x71: {  	s22 =	ssub.s32 $0x2, s22;
	[tilespmem:$0x690] =	vst v1;
	v1 =	vmul.f32 v4, v61  }
0x72: {  	s28 =	sshrl.u32 s22, $0x1;
	[tilespmem:$0x680] =	vst v2;
	v2 =	vmul.f32 v3, v61  }
0x73: {  	s31 =	simm.s32 $0x680;
	s22 =	ssub.s32 s22, s28;
	[tilespmem:$0x6A0] =	vst v1  }
0x74: {  	s30 =	sadd.s32 s0, s14;
	s14 =	simm.s32 $0x5;
	s5 =	smax.u32 s22, $0x1;
	[tilespmem:$0x6B0] =	vst v2  }
0x75: {  	[hbm4b:s30+s2] =	stream.linear.scatter [tilespmem:s31], [sflag:$0x5], $0x40, $0x38;
	[tilespmem:$0x880] =	vst v63  }
0x76: {  	p0 =	sne.s32 s5, $0x1;
	_ =	swait.ge [sflag:s14], $0x40  }
.Ltmp0:
0x77: {  	[sflag:s14] =	ssyncset.done $0x0;
	(pc) =	sbr.rel @!p0 .LBB2_3-.Ltmp0, $4  }
0x78: {  	[sflag:s14] =	ssyncadd.s32 $0xFFFFFFC0  }
0x79: {  	v1 =	vld [tilespmem:$0x230]  }
0x7a: {  	s28 =	sadd.s32 s0, s24;
	s22 =	sadd.s32 s0, s29;
	v3 =	vld [tilespmem:$0x200]  }
0x7b: {  	s29 =	simm.s32 $0x700;
	s24 =	simm.s32 $0x780;
	s0 =	sadd.s32 $0xFFFFFFFF, s5;
	v2 =	vld [tilespmem:$0x5A0]  }
0x7c: {  	s5 =	simm.s32 $0x80  }
.LBB2_2:
0x7d: {  	v4 =	vld [tilespmem:$0x580]  }
0x7e: {  	v5 =	vld [tilespmem:$0x220]  }
0x7f: {  	v6 =	vld [tilespmem:$0x210]  }
0x80: {  	v7 =	vld [tilespmem:$0x80]  }
0x81: {  	v8 =	vld [tilespmem:$0xA0]  }
0x82: {  	v9 =	vld [tilespmem:$0x90]  }
0x83: {  	v10 =	vld [tilespmem:$0xB0]  }
0x84: {  	v11 =	vld [tilespmem:$0x590]  }
0x85: {  	v12 =	vld [tilespmem:$0x5B0];
	v7 =	vcvt.s32.f32 v7  }
0x86: {  	v3 =	vcvt.s32.f32 v3;
	v8 =	vcvt.s32.f32 v8  }
0x87: {  	v5 =	vcvt.s32.f32 v5;
	v35 =	vcvt.s32.f32 v9;
	v4 =	vadd.f32 v7, v4  }
0x88: {  	v6 =	vcvt.s32.f32 v6;
	v36 =	vcvt.s32.f32 v10;
	v2 =	vadd.f32 v8, v2  }
0x89: {  	v7 =	vadd.f32 v35, v11;
	v3 =	vsub.f32 v4, v3;
	v4 =	vbroadcast v0, $0x1  }
0x8a: {  	v1 =	vcvt.s32.f32 v1;
	v2 =	vsub.f32 v2, v5;
	v5 =	vadd.f32 v36, v12  }
0x8b: {  	v6 =	vsub.f32 v7, v6;
	v3 =	vmul.f32 v3, v4  }
0x8c: {  	v2 =	vmul.f32 v2, v4;
	v1 =	vsub.f32 v5, v1  }
0x8d: {  	[tilespmem:$0x700] =	vst v3;
	v3 =	vmul.f32 v6, v4  }
0x8e: {  	[tilespmem:$0x720] =	vst v2;
	v1 =	vmul.f32 v1, v4  }
0x8f: {  	[tilespmem:$0x710] =	vst v3  }
0x90: {  	[tilespmem:$0x730] =	vst v1  }
0x91: {  	[hbm4b:s28+s2] =	stream.linear.scatter [tilespmem:s29], [sflag:$0x5], $0x40, $0x38;
	[tilespmem:$0x880] =	vst v63  }
0x92: {  	_ =	swait.ge [sflag:s14], $0x40  }
0x93: {  	[sflag:s14] =	ssyncset.done $0x0  }
0x94: {  	[sflag:s14] =	ssyncadd.s32 $0xFFFFFFC0  }
0x95: {  	v2 =	vld [tilespmem:$0x110]  }
0x96: {  	v3 =	vld [tilespmem:$0x610]  }
0x97: {  	v4 =	vld [tilespmem:$0x290];
	_ =	sdelay $0x1  }
0x98: {  	v5 =	vld [tilespmem:$0x130]  }
0x99: {  	v37 =	vld [tilespmem:$0x2B0];
	v2 =	vcvt.s32.f32 v2  }
0x9a: {  	v38 =	vld [tilespmem:$0x630]  }
0x9b: {  	v2 =	vadd.f32 v2, v3;
	v3 =	vcvt.s32.f32 v4;
	v4 =	vld [tilespmem:$0x120]  }
0x9c: {  	v39 =	vld [tilespmem:$0x2A0]  }
0x9d: {  	v5 =	vcvt.s32.f32 v5;
	v2 =	vsub.f32 v2, v3;
	v3 =	vld [tilespmem:$0x620]  }
0x9e: {  	v0 =	vbroadcast v0, $0x2;
	v41 =	vld [tilespmem:$0x100]  }
0x9f: {  	v1 =	vld [tilespmem:$0x600];
	v6 =	vcvt.s32.f32 v37;
	v5 =	vadd.f32 v5, v38  }
0xa0: {  	v40 =	vld [tilespmem:$0x280];
	v2 =	vmul.f32 v2, v0;
	v4 =	vcvt.s32.f32 v4  }
0xa1: {  	v5 =	vsub.f32 v5, v6  }
0xa2: {  	[tilespmem:$0x790] =	vst v2;
	v2 =	vadd.f32 v4, v3;
	v3 =	vcvt.s32.f32 v39  }
0xa3: {  	v4 =	vmul.f32 v5, v0;
	v5 =	vcvt.s32.f32 v41;
	_ =	sdelay $0x1  }
0xa4: {  	v2 =	vsub.f32 v2, v3;
	v1 =	vadd.f32 v5, v1;
	v3 =	vcvt.s32.f32 v40;
	_ =	sdelay $0x1  }
0xa5: {  	v1 =	vsub.f32 v1, v3  }
0xa6: {  	v2 =	vmul.f32 v2, v0  }
0xa7: {  	[tilespmem:$0x7B0] =	vst v4;
	v0 =	vmul.f32 v1, v0  }
0xa8: {  	[tilespmem:$0x7A0] =	vst v2  }
0xa9: {  	[tilespmem:$0x780] =	vst v0  }
0xaa: {  	[hbm4b:s22+s2] =	stream.linear.scatter [tilespmem:s24], [sflag:$0x5], $0x40, $0x38;
	[tilespmem:$0x880] =	vst v63  }
0xab: {  	_ =	swait.ge [sflag:s14], $0x40  }
0xac: {  	[sflag:s14] =	ssyncset.done $0x0  }
0xad: {  	s1 =	rddreg [dreg:$0x7];
	[sflag:s14] =	ssyncadd.s32 $0xFFFFFFC0  }
0xae: {  	[tilespmem:s2], [sflag:$0x2] =	stream.linear.gather [hbm4b:s1+s2], $0x40, $0x38;
	[tilespmem:$0x880] =	vst v63  }
0xaf: {  	s4 =	rddreg [dreg:$0x8]  }
0xb0: {  	[tilespmem:s5], [sflag:$0x2] =	stream.linear.gather [hbm4b:s4+s2], $0x40, $0x38;
	[tilespmem:$0x880] =	vst v63  }
0xb1: {  	s1 =	rddreg [dreg:$0x9];
	s4 =	simm.s32 $0x100  }
0xb2: {  	[tilespmem:s4], [sflag:$0x2] =	stream.linear.gather [hbm4b:s1+s2], $0x40, $0x38;
	[tilespmem:$0x880] =	vst v63  }
0xb3: {  	_ = 	snop  }
0xb4: {  	[tilespmem:s7], [sflag:$0x3] =	stream.linear.gather [hbm4b:s6+s2], $0x40, $0x38;
	[tilespmem:$0x880] =	vst v63  }
0xb5: {  	_ = 	snop  }
0xb6: {  	[tilespmem:s9], [sflag:$0x3] =	stream.linear.gather [hbm4b:s8+s2], $0x40, $0x38;
	[tilespmem:$0x880] =	vst v63  }
0xb7: {  	_ = 	snop  }
0xb8: {  	[tilespmem:s11], [sflag:$0x3] =	stream.linear.gather [hbm4b:s10+s2], $0x40, $0x38;
	[tilespmem:$0x880] =	vst v63  }
0xb9: {  	s4 =	rddreg [dreg:$0x6]  }
0xba: {  	[tilespmem:s12], [sflag:$0x4] =	stream.linear.gather [hbm4b:s4+s2], $0x3, $0x38;
	[tilespmem:$0x880] =	vst v63  }
0xbb: {  	_ =	swait.ge [sflag:s13], $0x40  }
0xbc: {  	[sflag:s13] =	ssyncset.done $0x0  }
0xbd: {  	[sflag:s13] =	ssyncadd.s32 $0xFFFFFFC0  }
0xbe: {  	_ =	swait.ge [sflag:s13], $0x40  }
0xbf: {  	[sflag:s13] =	ssyncset.done $0x0  }
0xc0: {  	[sflag:s13] =	ssyncadd.s32 $0xFFFFFFC0  }
0xc1: {  	_ =	swait.ge [sflag:s13], $0x40  }
0xc2: {  	[sflag:s13] =	ssyncset.done $0x0  }
0xc3: {  	[sflag:s13] =	ssyncadd.s32 $0xFFFFFFC0  }
0xc4: {  	v0 =	vld [tilespmem:$0x10]  }
0xc5: {  	v2 =	vld [tilespmem:$0x110]  }
0xc6: {  	v3 =	vld [tilespmem:$0x120]  }
0xc7: {  	v42 =	vld [tilespmem:$0xA0]  }
0xc8: {  	v43 =	vld [tilespmem:$0x80]  }
0xc9: {  	v44 =	vld [tilespmem:$0x90]  }
0xca: {  	v46 =	vld [tilespmem:$0x100]  }
0xcb: {  	v13 =	vld [tilespmem:$0x0]  }
0xcc: {  	v45 =	vshrl.u32 v2, $0x7;
	v47 =	vand.u32 $0x7F, v3  }
0xcd: {  	v3 =	vshrl.u32 v3, $0x7;
	v16 =	vshrl.u32 v42, $0x2;
	v17 =	vshrl.u32 v43, $0x2  }
0xce: {  	v7 =	vshll.u32 v43, $0x7;
	v18 =	vshrl.u32 v44, $0x2;
	v8 =	vshll.u32 v44, $0x7  }
0xcf: {  	v6 =	vshll.u32 v42, $0x7;
	v19 =	vshrl.u32 v46, $0x7;
	v0 =	vshll.u32 v0, $0x10  }
0xd0: {  	v13 =	vshll.u32 v13, $0x10;
	v10 =	vand.u32 $0x7F, v46;
	v17 =	vand.u32 $0x3FFFFE, v17  }
0xd1: {  	v15 =	vld [tilespmem:$0x20];
	v2 =	vand.u32 $0x7F, v2;
	v18 =	vand.u32 $0x3FFFFE, v18;
	v17 =	vadd.s32 v19, v17  }
0xd2: {  	v16 =	vand.u32 $0x3FFFFE, v16;
	v9 =	vadd.s32 v45, v18;
	v17 =	vshll.u32 v17, $0xA  }
0xd3: {  	v5 =	vld [tilespmem:$0xB0];
	v7 =	vand.u32 $0x380, v7;
	v9 =	vshll.u32 v9, $0xA;
	v13 =	vadd.s32 v13, v17  }
0xd4: {  	v4 =	vld [tilespmem:$0x130];
	v8 =	vand.u32 $0x380, v8;
	v0 =	vadd.s32 v0, v9;
	v7 =	vor.u32 v7, v13  }
0xd5: {  	v3 =	vadd.s32 v3, v16;
	v0 =	vor.u32 v8, v0;
	v7 =	vor.u32 v10, v7  }
0xd6: {  	v1 =	vld [tilespmem:$0x30];
	v49 =	vshll.u32 v15, $0x10;
	v3 =	vshll.u32 v3, $0xA;
	v0 =	vor.u32 v2, v0;
	[tilespmem:$0x380] =	vst v7  }
0xd7: {  	v6 =	vand.u32 $0x380, v6;
	v3 =	vadd.s32 v49, v3;
	v10 =	vadd.s32 $0x1000000, v7;
	[tilespmem:$0x390] =	vst v0  }
0xd8: {  	v14 =	vshrl.u32 v5, $0x2;
	v2 =	vor.u32 v6, v3;
	v7 =	vadd.s32 $0x2000000, v7;
	[tilespmem:$0x400] =	vst v10  }
0xd9: {  	v48 =	vshrl.u32 v4, $0x7;
	v50 =	vand.u32 $0x3FFFFE, v14;
	v2 =	vor.u32 v47, v2;
	[tilespmem:$0x480] =	vst v7  }
0xda: {  	v5 =	vshll.u32 v5, $0x7;
	v51 =	vadd.s32 v48, v50;
	v52 =	vadd.s32 $0x1000000, v0;
	[tilespmem:$0x3A0] =	vst v2  }
0xdb: {  	v1 =	vshll.u32 v1, $0x10;
	v3 =	vshll.u32 v51, $0xA;
	v53 =	vadd.s32 $0x2000000, v0;
	[tilespmem:$0x410] =	vst v52  }
0xdc: {  	v5 =	vand.u32 $0x380, v5;
	v1 =	vadd.s32 v1, v3;
	v0 =	vadd.s32 $0x2000000, v2;
	[tilespmem:$0x490] =	vst v53  }
0xdd: {  	v3 =	vand.u32 $0x7F, v4;
	v1 =	vor.u32 v5, v1;
	v2 =	vadd.s32 $0x1000000, v2;
	[tilespmem:$0x4A0] =	vst v0  }
0xde: {  	v0 =	vor.u32 v3, v1;
	[tilespmem:$0x420] =	vst v2  }
0xdf: {  	[tilespmem:$0x3B0] =	vst v0;
	v1 =	vadd.s32 $0x1000000, v0;
	v0 =	vadd.s32 $0x2000000, v0  }
0xe0: {  	[tilespmem:$0x4B0] =	vst v0  }
0xe1: {  	[tilespmem:$0x430] =	vst v1  }
0xe2: {  	[tilespmem:s17], [sflag:$0x1] =	stream.indirect.gather [hbm4b:s3+s15], $0x1, s16, s15, $0xb8;
	[tilespmem:$0x880] =	vst v63  }
0xe3: {  	_ = 	snop  }
0xe4: {  	[tilespmem:s19], [sflag:$0x1] =	stream.indirect.gather [hbm4b:s3+s15], $0x1, s18, s15, $0xb8;
	[tilespmem:$0x880] =	vst v63  }
0xe5: {  	_ = 	snop  }
0xe6: {  	[tilespmem:s21], [sflag:$0x1] =	stream.indirect.gather [hbm4b:s3+s15], $0x1, s20, s15, $0xb8;
	[tilespmem:$0x880] =	vst v63  }
0xe7: {  	_ =	swait.ge [sflag:s23], $0x3  }
0xe8: {  	[sflag:s23] =	ssyncset.done $0x0  }
0xe9: {  	[sflag:s23] =	ssyncadd.s32 $0xFFFFFFFD  }
0xea: {  	v0 =	vld [tilespmem:$0x300];
	_ =	swait.ge [sflag:s25], $0x40  }
0xeb: {  	[sflag:s25] =	ssyncset.done $0x0  }
0xec: {  	[sflag:s25] =	ssyncadd.s32 $0xFFFFFFC0  }
0xed: {  	_ =	swait.ge [sflag:s25], $0x40  }
0xee: {  	[sflag:s25] =	ssyncset.done $0x0  }
0xef: {  	[sflag:s25] =	ssyncadd.s32 $0xFFFFFFC0  }
0xf0: {  	_ =	swait.ge [sflag:s25], $0x40  }
0xf1: {  	[sflag:s25] =	ssyncset.done $0x0  }
0xf2: {  	[sflag:s25] =	ssyncadd.s32 $0xFFFFFFC0  }
0xf3: {  	_ =	swait.ge [sflag:s26], $0x40  }
0xf4: {  	[sflag:s26] =	ssyncset.done $0x0  }
0xf5: {  	[sflag:s26] =	ssyncadd.s32 $0xFFFFFFC0  }
0xf6: {  	_ =	swait.ge [sflag:s26], $0x40  }
0xf7: {  	[sflag:s26] =	ssyncset.done $0x0  }
0xf8: {  	[sflag:s26] =	ssyncadd.s32 $0xFFFFFFC0  }
0xf9: {  	_ =	swait.ge [sflag:s26], $0x40  }
0xfa: {  	[sflag:s26] =	ssyncset.done $0x0  }
0xfb: {  	[sflag:s26] =	ssyncadd.s32 $0xFFFFFFC0  }
0xfc: {  	v1 =	vld [tilespmem:$0x190]  }
0xfd: {  	v2 =	vld [tilespmem:$0x180]  }
0xfe: {  	v3 =	vld [tilespmem:$0x500]  }
0xff: {  	v4 =	vld [tilespmem:$0x510]  }
0x100: {  	v5 =	vld [tilespmem:$0x10]  }
0x101: {  	v54 =	vld [tilespmem:$0x0]  }
0x102: {  	v55 =	vld [tilespmem:$0x520]  }
0x103: {  	v56 =	vld [tilespmem:$0x20]  }
0x104: {  	v57 =	vld [tilespmem:$0x1A0]  }
0x105: {  	v58 =	vld [tilespmem:$0x30];
	v5 =	vcvt.s32.f32 v5  }
0x106: {  	v59 =	vld [tilespmem:$0x1B0]  }
0x107: {  	v1 =	vcvt.s32.f32 v1;
	v6 =	vcvt.s32.f32 v54;
	v4 =	vadd.f32 v5, v4;
	v5 =	vld [tilespmem:$0x530]  }
0x108: {  	v61 =	vbroadcast v0, $0x0;
	v60 =	vcvt.s32.f32 v56  }
0x109: {  	v2 =	vcvt.s32.f32 v2;
	v3 =	vadd.f32 v6, v3;
	v1 =	vsub.f32 v4, v1  }
0x10a: {  	v62 =	vcvt.s32.f32 v57;
	v63 =	vcvt.s32.f32 v58;
	v4 =	vadd.f32 v60, v55  }
0x10b: {  	v2 =	vsub.f32 v3, v2;
	v1 =	vmul.f32 v1, v61  }
0x10c: {  	v3 =	vsub.f32 v4, v62;
	v4 =	vadd.f32 v63, v5;
	v5 =	vcvt.s32.f32 v59;
	_ =	sdelay $0x1  }
0x10d: {  	[tilespmem:$0x690] =	vst v1;
	v1 =	vmul.f32 v3, v61;
	v3 =	vsub.f32 v4, v5  }
0x10e: {  	v2 =	vmul.f32 v2, v61  }
0x10f: {  	[tilespmem:$0x6A0] =	vst v1;
	v1 =	vmul.f32 v3, v61  }
0x110: {  	[tilespmem:$0x680] =	vst v2  }
0x111: {  	[tilespmem:$0x6B0] =	vst v1  }
0x112: {  	[hbm4b:s30+s2] =	stream.linear.scatter [tilespmem:s31], [sflag:$0x5], $0x40, $0x38;
	[tilespmem:$0x880] =	vst v63  }
0x113: {  	p0 =	sne.s32 s0, $0x1;
	_ =	swait.ge [sflag:s14], $0x40  }
.Ltmp1:
0x114: {  	[sflag:s14] =	ssyncset.done $0x0;
	(pc) =	sbr.rel @p0 .LBB2_2-.Ltmp1, $4  }
0x115: {  	[sflag:s14] =	ssyncadd.s32 $0xFFFFFFC0  }
0x116: {  	v1 =	vld [tilespmem:$0x230]  }
0x117: {  	v3 =	vld [tilespmem:$0x200]  }
0x118: {  	s0 =	sadd.s32 $0xFFFFFFFF, s0;
	v2 =	vld [tilespmem:$0x5A0]  }
.LBB2_3:
0x119: {  	v4 =	vld [tilespmem:$0x580]  }
0x11a: {  	v5 =	vld [tilespmem:$0x220]  }
0x11b: {  	v6 =	vld [tilespmem:$0x210]  }
0x11c: {  	v7 =	vld [tilespmem:$0x80]  }
0x11d: {  	v8 =	vld [tilespmem:$0xA0]  }
0x11e: {  	v9 =	vld [tilespmem:$0x90]  }
0x11f: {  	v10 =	vld [tilespmem:$0xB0]  }
0x120: {  	v11 =	vld [tilespmem:$0x590]  }
0x121: {  	v12 =	vld [tilespmem:$0x5B0];
	v7 =	vcvt.s32.f32 v7  }
0x122: {  	v42 =	vbroadcast v0, $0x1;
	v8 =	vcvt.s32.f32 v8  }
0x123: {  	v3 =	vcvt.s32.f32 v3;
	v40 =	vcvt.s32.f32 v9;
	v4 =	vadd.f32 v7, v4  }
0x124: {  	v5 =	vcvt.s32.f32 v5;
	v41 =	vcvt.s32.f32 v10;
	v2 =	vadd.f32 v8, v2  }
0x125: {  	v6 =	vcvt.s32.f32 v6;
	v7 =	vadd.f32 v40, v11;
	v3 =	vsub.f32 v4, v3  }
0x126: {  	v1 =	vcvt.s32.f32 v1;
	v43 =	vadd.f32 v41, v12;
	v2 =	vsub.f32 v2, v5  }
0x127: {  	v6 =	vsub.f32 v7, v6;
	v3 =	vmul.f32 v3, v42  }
0x128: {  	v1 =	vsub.f32 v43, v1;
	v2 =	vmul.f32 v2, v42  }
0x129: {  	v44 =	vmul.f32 v6, v42;
	[tilespmem:$0x700] =	vst v3  }
0x12a: {  	v1 =	vmul.f32 v1, v42;
	[tilespmem:$0x720] =	vst v2  }
0x12b: {  	[tilespmem:$0x710] =	vst v44  }
0x12c: {  	[tilespmem:$0x730] =	vst v1  }
0x12d: {  	[hbm4b:s28+s2] =	stream.linear.scatter [tilespmem:s29], [sflag:$0x5], $0x40, $0x38;
	[tilespmem:$0x880] =	vst v63  }
0x12e: {  	_ =	swait.ge [sflag:s14], $0x40  }
0x12f: {  	[sflag:s14] =	ssyncset.done $0x0  }
0x130: {  	[sflag:s14] =	ssyncadd.s32 $0xFFFFFFC0  }
0x131: {  	v45 =	vld [tilespmem:$0x600]  }
0x132: {  	v46 =	vld [tilespmem:$0x110]  }
0x133: {  	v47 =	vld [tilespmem:$0x610]  }
0x134: {  	v48 =	vld [tilespmem:$0x290]  }
0x135: {  	v49 =	vld [tilespmem:$0x130]  }
0x136: {  	v50 =	vld [tilespmem:$0x2B0]  }
0x137: {  	v51 =	vld [tilespmem:$0x630]  }
0x138: {  	v52 =	vld [tilespmem:$0x2A0]  }
0x139: {  	v53 =	vld [tilespmem:$0x120]  }
0x13a: {  	v54 =	vld [tilespmem:$0x100]  }
0x13b: {  	v55 =	vld [tilespmem:$0x620]  }
0x13c: {  	v56 =	vld [tilespmem:$0x280];
	v2 =	vcvt.s32.f32 v46  }
0x13d: {  	v57 =	vbroadcast v0, $0x2;
	v5 =	vcvt.s32.f32 v49  }
0x13e: {  	v4 =	vcvt.s32.f32 v48;
	v58 =	vcvt.s32.f32 v53;
	v2 =	vadd.f32 v2, v47  }
0x13f: {  	v6 =	vcvt.s32.f32 v50;
	v59 =	vcvt.s32.f32 v54;
	v5 =	vadd.f32 v5, v51  }
0x140: {  	v60 =	vcvt.s32.f32 v52;
	v3 =	vadd.f32 v58, v55;
	v2 =	vsub.f32 v2, v4  }
0x141: {  	v61 =	vcvt.s32.f32 v56;
	v1 =	vadd.f32 v59, v45;
	v5 =	vsub.f32 v5, v6  }
0x142: {  	v3 =	vsub.f32 v3, v60;
	v2 =	vmul.f32 v2, v57  }
0x143: {  	v1 =	vsub.f32 v1, v61;
	v62 =	vmul.f32 v5, v57  }
0x144: {  	v63 =	vmul.f32 v3, v57;
	[tilespmem:$0x790] =	vst v2  }
0x145: {  	v0 =	vmul.f32 v1, v57;
	[tilespmem:$0x7B0] =	vst v62  }
0x146: {  	[tilespmem:$0x7A0] =	vst v63  }
0x147: {  	[tilespmem:$0x780] =	vst v0  }
0x148: {  	[hbm4b:s22+s2] =	stream.linear.scatter [tilespmem:s24], [sflag:$0x5], $0x40, $0x38;
	[tilespmem:$0x880] =	vst v63  }
0x149: {  	_ =	swait.ge [sflag:s14], $0x40  }
0x14a: {  	[sflag:s14] =	ssyncset.done $0x0  }
0x14b: {  	[sflag:s14] =	ssyncadd.s32 $0xFFFFFFC0  }
0x14c: {  	_ =	sfence.sel $0x180000  }
0x14d: {  	[bflag:$0x0] =	sbarrier.arrive $0xFFFF  }
0x14e: {  	_ =	strace $0x90000047  }
0x14f: {  	s0 =	stileid.u32;
	[bflag:$0x2] =	sbarrier.arrive $0xFFFF  }
0x150: {  	p0 =	sne.s32 s0, $0x0;
	s0 =	rddreg [dreg:$0x5]  }
0x151: {  	s0 =	sadd.s32 @!p0 $0x100000, s0  }
0x152: {  	[sflag:s0] =	ssyncadd.tile.s32 @!p0 $0x1;
	_ =	shalt  }
.Lfunc_end2:
_tile_overlayer_lowered:
.L_overlay_start_2:
0x153: {  	(tag) =	ssettag $0x2  }
0x154: {  	s0 =	rddreg [dreg:$0x0];
	s2 =	stileid.u32  }
0x155: {  	s1 =	rddreg [dreg:$0x1];
	p0 =	sne.s32 s2, $0x0  }
0x156: {  	s3 =	rddreg [dreg:$0x2];
	[bflag:$0x3] =	sbarrier.arrive $0xFFFF;
	s2 =	simm.s32 @!p0 $0x1C05  }
0x157: {  	[timem:s3], [sflag:s2] =	dma.local @!p0 [hbm:s0], s1  }
0x158: {  	s0 =	simm.s32 @!p0 $0x5  }
0x159: {  	_ =	swait.ge @!p0 [sflag:s0], s1  }
0x15a: {  	s1 =	ssub.s32 @!p0 $0x0, s1;
	[sflag:s0] =	ssyncset.done @!p0 $0x0  }
0x15b: {  	[sflag:s0] =	ssyncadd.s32 @!p0 s1  }
0x15c: {  	[bflag:$0x3] =	sbarrier.arrive $0xFFFF  }
0x15d: {  	_ =	shalt  }

</sc_bundles>
